<compile_context>
chip_gen: v7x
topology: tpu7x:2x2x1
jax: 0.10.2.dev20260603
libtpu: 0.0.44.dev20260713+nightly
codegen_flags: <defaults>
</compile_context>

<pallas_src>
import functools

import jax
import jax.numpy as jnp
from jax import lax
from jax.experimental import pallas as pl
from jax.experimental.pallas import tpu as pltpu
from jax.experimental.pallas import tpu_sc as plsc

_NC = 2
_NS = 16
_LANES = 16
_C = 512
_RW = 32
_GN = 125


def kernel(indices, tables):
    out_t = _run_chunk(indices, tables)
    return jnp.transpose(out_t, (2, 0, 1))


def _run_chunk(indices, tables):
    F, B, L = indices.shape
    _, V, D = tables.shape
    NW = _NC * _NS
    U = F * D // NW
    NB = B // _C
    NR = V // _RW
    NT = NR // _GN

    idx_b = (
        indices.astype(jnp.int32)
        .transpose(0, 2, 1)
        .reshape(F, L, NB, _C)
        .transpose(0, 2, 1, 3)
    )
    tab_t = jnp.transpose(tables, (0, 2, 1)).reshape(F, D, NR, _RW)
    iota = jnp.arange(NR, dtype=jnp.int32).reshape(NT, _GN)

    mesh = plsc.VectorSubcoreMesh(core_axis_name="c", subcore_axis_name="s")

    @functools.partial(
        pl.kernel,
        mesh=mesh,
        compiler_params=pltpu.CompilerParams(
            use_tc_tiling_on_sc=False, needs_layout_passes=False
        ),
        out_type=jax.ShapeDtypeStruct((F, D, B), jnp.float32),
        scratch_types=[
            pltpu.VMEM((V // _RW, _RW), jnp.float32),
            pltpu.VMEM((2, L, _C), jnp.int32),
            pltpu.VMEM((B,), jnp.float32),
            pltpu.VMEM((NT, _GN), jnp.int32),
            pltpu.SemaphoreType.DMA,
            pltpu.SemaphoreType.DMA,
            pltpu.SemaphoreType.DMA,
        ],
    )
    def run(idx_hbm, tab_hbm, iota_hbm, out_hbm,
            tab_v, idx_v, out_v, iota_v, sem0, sem1, semt):
        wid = lax.axis_index("s") * _NC + lax.axis_index("c")
        sems = (sem0, sem1)

        pltpu.sync_copy(iota_hbm, iota_v)

        def load_table(f, d):
            for j in range(NT):
                pltpu.async_copy(
                    tab_hbm.at[f, d].at[iota_v.at[j]],
                    tab_v.at[pl.ds(j * _GN, _GN)],
                    semt,
                )

        def wait_table():
            pltpu.make_async_copy(tab_hbm.at[0, 0], tab_v, semt).wait()

        def fetch(f, bc, slot):
            pltpu.async_copy(idx_hbm.at[f, bc], idx_v.at[slot], sems[slot])

        def wait(slot):
            pltpu.make_async_copy(
                idx_hbm.at[0, 0], idx_v.at[slot], sems[slot]
            ).wait()

        def pool_block(bc, slot):
            @pl.loop(0, _C, step=_LANES)
            def _group(g):
                sl = pl.ds(g, _LANES)
                vals = []
                for l in range(L):
                    iv = idx_v[slot, l, sl]
                    hi = lax.shift_right_logical(iv, 5)
                    lo = lax.bitwise_and(iv, _RW - 1)
                    vals.append(plsc.load_gather(tab_v, [hi, lo]))
                while len(vals) > 1:
                    nxt = [
                        vals[i] + vals[i + 1]
                        for i in range(0, len(vals) - 1, 2)
                    ]
                    if len(vals) % 2:
                        nxt.append(vals[-1])
                    vals = nxt
                out_v[pl.ds(bc * _C + g, _LANES)] = vals[0]

        @pl.loop(0, U)
        def _unit(k):
            u = wid * U + k
            f = u // D
            d = u % D
            load_table(f, d)
            fetch(f, 0, 0)
            wait_table()

            @pl.loop(0, NB, step=2)
            def _blocks(bc):
                fetch(f, bc + 1, 1)
                wait(0)
                pool_block(bc, 0)

                @pl.when(bc + 2 < NB)
                def _():
                    fetch(f, bc + 2, 0)

                wait(1)
                pool_block(bc + 1, 1)

            pltpu.sync_copy(out_v, out_hbm.at[f, d])

    return run(idx_b, tab_t, iota)

# --- scband reference (transcript-rebuilt; emitter-appended) ---
"""Pipeline reference for scband-sparse-arch-16432544874887 (READ-ONLY COPY).

The authoritative reference and input builder live on the scoring server;
editing this copy changes nothing except your own understanding.
"""

import jax, jax.numpy as jnp
import numpy as np

F = 26
V = 100000
D = 32
B = 4096
L = 20


def setup_inputs(seed: int = 0) -> dict:
    key = jax.random.key(seed)
    k_idx, k_tab = jax.random.split(key)
    indices = jax.random.randint(k_idx, (F, B, L), 0, V, dtype=jnp.int64)
    # learned parameters: one embedding table per sparse feature, stacked [F, V, D]
    tables = jax.random.normal(k_tab, (F, V, D), dtype=jnp.float32) * 0.01
    return {"indices": indices, "tables": tables}


def reference(indices, tables):
    # EmbeddingBagCollection with sum pooling over fixed-length bags (L per feature).
    # gather per-table then pool: [F, B, L, D] -> sum over L -> [F, B, D]
    gathered = jax.vmap(lambda t, idx: jnp.take(t, idx, axis=0))(tables, indices)
    pooled = gathered.sum(axis=2)  # [F, B, D]
    # SparseArch concatenates per-feature pooled embeddings then reshapes to [B, F, D]
    out = jnp.transpose(pooled, (1, 0, 2))  # [B, F, D]
    return out

if __name__ == "__main__":
    import jax
    _d = setup_inputs()
    print(jax.jit(kernel)(*tuple(_d.values())))

</pallas_src>

<mosaic_0001>
#map = affine_map<(d0, d1) -> (0, 0, 0, 0)>
#map1 = affine_map<(d0, d1) -> (0, 0)>
#map2 = affine_map<(d0, d1) -> (0, 0, 0)>
module attributes {stable_mosaic.version = 14 : i64} {
  func.func @run(%arg0: i32, %arg1: i32, %arg2: memref<26x8x20x512xi32, #tpu.memory_space<hbm>>, %arg3: memref<26x32x3125x32xf32, #tpu.memory_space<hbm>>, %arg4: memref<25x125xi32, #tpu.memory_space<hbm>>, %arg5: memref<26x32x4096xf32, #tpu.memory_space<hbm>>, %arg6: memref<3125x32xf32, #tpu.memory_space<vmem>>, %arg7: memref<2x20x512xi32, #tpu.memory_space<vmem>>, %arg8: memref<4096xf32, #tpu.memory_space<vmem>>, %arg9: memref<25x125xi32, #tpu.memory_space<vmem>>, %arg10: memref<!tpu.dma_semaphore, #tpu.memory_space<semaphore_mem>>, %arg11: memref<!tpu.dma_semaphore, #tpu.memory_space<semaphore_mem>>, %arg12: memref<!tpu.dma_semaphore, #tpu.memory_space<semaphore_mem>>) attributes {dimension_semantics = [#tpu.dimension_semantics<core_parallel>, #tpu.dimension_semantics<subcore_parallel>], iteration_bounds = array<i64: 2, 16>, scalar_prefetch = 0 : i64, scratch_operands = 7 : i64, tpu.core_type = #tpu.core_type<sc_vector_subcore>, window_params = [{transform_indices = #map}, {transform_indices = #map}, {transform_indices = #map1}, {transform_indices = #map2}]} {
    %mul3A = arith.constant 2 : i32
    %mul3A_0 = arith.muli %arg1, %mul3A : i32
    %add3A = arith.addi %mul3A_0, %arg0 : i32
    "tpu.region"() ({
      %run_scoped3A = tpu.sem_alloc : memref<!tpu.dma_semaphore, #tpu.memory_space<semaphore_mem>>
      tpu.enqueue_dma source(%arg4 : memref<25x125xi32, #tpu.memory_space<hbm>>) target(%arg9 : memref<25x125xi32, #tpu.memory_space<vmem>>) target_semaphore(%run_scoped3A : memref<!tpu.dma_semaphore, #tpu.memory_space<semaphore_mem>>)
      tpu.wait_dma2 semaphore(%run_scoped3A : memref<!tpu.dma_semaphore, #tpu.memory_space<semaphore_mem>>) src(%arg4 : memref<25x125xi32, #tpu.memory_space<hbm>>) dst(%arg9 : memref<25x125xi32, #tpu.memory_space<vmem>>)
      tpu.yield
    }) : () -> ()
    %scan3A = arith.constant 0 : i32
    %scan3A_1 = arith.constant 26 : i32
    %scan3A_2 = arith.addi %scan3A, %scan3A_1 : i32
    %scan3A_3 = arith.constant 1 : i32
    scf.for %scan3A_5 = %scan3A to %scan3A_2 step %scan3A_3  : i32 {
      %mul3A_6 = arith.constant 1 : i32
      %mul3A_7 = arith.muli %scan3A_5, %mul3A_6 : i32
      %add3A_8 = arith.constant 0 : i32
      %add3A_9 = arith.addi %add3A_8, %mul3A_7 : i32
      %mul3A_10 = arith.constant 26 : i32
      %mul3A_11 = arith.muli %add3A, %mul3A_10 : i32
      %add3A_12 = arith.addi %mul3A_11, %add3A_9 : i32
      %jit3A = arith.constant 32 : i32
      %div3A = arith.divsi %add3A_12, %jit3A : i32
      %sign3A = arith.constant 0 : i32
      %sign3A_13 = arith.cmpi sgt, %add3A_12, %sign3A : i32
      %sign3A_14 = arith.extui %sign3A_13 : i1 to i32
      %sign3A_15 = arith.constant 0 : i32
      %sign3A_16 = arith.cmpi slt, %add3A_12, %sign3A_15 : i32
      %sign3A_17 = arith.extui %sign3A_16 : i1 to i32
      %sign3A_18 = arith.subi %sign3A_14, %sign3A_17 : i32
      %sign3A_19 = arith.constant 0 : i32
      %sign3A_20 = arith.cmpi sgt, %jit3A, %sign3A_19 : i32
      %sign3A_21 = arith.extui %sign3A_20 : i1 to i32
      %sign3A_22 = arith.constant 0 : i32
      %sign3A_23 = arith.cmpi slt, %jit3A, %sign3A_22 : i32
      %sign3A_24 = arith.extui %sign3A_23 : i1 to i32
      %sign3A_25 = arith.subi %sign3A_21, %sign3A_24 : i32
      %ne3A = arith.cmpi ne, %sign3A_18, %sign3A_25 : i32
      %rem3A = arith.remsi %add3A_12, %jit3A : i32
      %ne3A_26 = arith.constant 0 : i32
      %ne3A_27 = arith.cmpi ne, %rem3A, %ne3A_26 : i32
      %and3A = arith.andi %ne3A, %ne3A_27 : i1
      %sub3A = arith.constant 1 : i32
      %sub3A_28 = arith.subi %div3A, %sub3A : i32
      %select_n3A = arith.select %and3A, %sub3A_28, %div3A : i32
      %jit3A_29 = arith.constant 32 : i32
      %eq3A = arith.constant 0 : i32
      %eq3A_30 = arith.cmpi eq, %jit3A_29, %eq3A : i32
      %jit3A_31 = arith.constant 1 : i32
      %select_n3A_32 = arith.select %eq3A_30, %jit3A_31, %jit3A_29 : i32
      %rem3A_33 = arith.remsi %add3A_12, %select_n3A_32 : i32
      %ne3A_34 = arith.constant 0 : i32
      %ne3A_35 = arith.cmpi ne, %rem3A_33, %ne3A_34 : i32
      %lt3A = arith.constant 0 : i32
      %lt3A_36 = arith.cmpi slt, %rem3A_33, %lt3A : i32
      %lt3A_37 = arith.constant 0 : i32
      %lt3A_38 = arith.cmpi slt, %select_n3A_32, %lt3A_37 : i32
      %ne3A_39 = arith.xori %lt3A_36, %lt3A_38 : i1
      %and3A_40 = arith.andi %ne3A_39, %ne3A_35 : i1
      %add3A_41 = arith.addi %rem3A_33, %select_n3A_32 : i32
      %select_n3A_42 = arith.select %and3A_40, %add3A_41, %rem3A_33 : i32
      %dma_start3A = arith.constant 0 : i32
      %dma_start3A_43 = arith.constant 0 : i32
      %dma_start3A_44 = arith.constant 0 : i32
      %dma_start3A_45 = tpu.memref_slice %arg6[%dma_start3A_43, %dma_start3A_44] : memref<3125x32xf32, #tpu.memory_space<vmem>> -> memref<125x32xf32, #tpu.memory_space<vmem>>
      %dma_start3A_46 = arith.constant 0 : i32
      %dma_start3A_47 = tpu.memref_slice %arg9[%dma_start3A, %dma_start3A_46] : memref<25x125xi32, #tpu.memory_space<vmem>> -> memref<1x125xi32, #tpu.memory_space<vmem>>
      %dma_start3A_48 = tpu.memref_squeeze %dma_start3A_47 : memref<1x125xi32, #tpu.memory_space<vmem>> -> memref<125xi32, #tpu.memory_space<vmem>>
      %dma_start3A_49 = arith.constant 0 : i32
      %dma_start3A_50 = arith.constant 0 : i32
      %dma_start3A_51 = tpu.memref_slice %arg3[%select_n3A, %select_n3A_42, %dma_start3A_49, %dma_start3A_50] : memref<26x32x3125x32xf32, #tpu.memory_space<hbm>> -> memref<1x1x3125x32xf32, #tpu.memory_space<hbm>>
      %dma_start3A_52 = tpu.memref_squeeze %dma_start3A_51 : memref<1x1x3125x32xf32, #tpu.memory_space<hbm>> -> memref<3125x32xf32, #tpu.memory_space<hbm>>
      %dma_start3A_53 = arith.constant 0 : i32
      %dma_start3A_54 = arith.constant 0 : i32
      %dma_start3A_55 = tpu.memref_slice %dma_start3A_52[%dma_start3A_53, %dma_start3A_54] : memref<3125x32xf32, #tpu.memory_space<hbm>> -> memref<3125x32xf32, #tpu.memory_space<hbm>>
      tpu.enqueue_indirect_dma source(%dma_start3A_55 : memref<3125x32xf32, #tpu.memory_space<hbm>>) target(%dma_start3A_45 : memref<125x32xf32, #tpu.memory_space<vmem>>) offsets(%dma_start3A_48 : memref<125xi32, #tpu.memory_space<vmem>>) semaphore(%arg12 : memref<!tpu.dma_semaphore, #tpu.memory_space<semaphore_mem>>)
      %dma_start3A_56 = arith.constant 1 : i32
      %dma_start3A_57 = arith.constant 125 : i32
      %dma_start3A_58 = arith.constant 0 : i32
      %dma_start3A_59 = tpu.memref_slice %arg6[%dma_start3A_57, %dma_start3A_58] : memref<3125x32xf32, #tpu.memory_space<vmem>> -> memref<125x32xf32, #tpu.memory_space<vmem>>
      %dma_start3A_60 = arith.constant 0 : i32
      %dma_start3A_61 = tpu.memref_slice %arg9[%dma_start3A_56, %dma_start3A_60] : memref<25x125xi32, #tpu.memory_space<vmem>> -> memref<1x125xi32, #tpu.memory_space<vmem>>
      %dma_start3A_62 = tpu.memref_squeeze %dma_start3A_61 : memref<1x125xi32, #tpu.memory_space<vmem>> -> memref<125xi32, #tpu.memory_space<vmem>>
      %dma_start3A_63 = arith.constant 0 : i32
      %dma_start3A_64 = arith.constant 0 : i32
      %dma_start3A_65 = tpu.memref_slice %arg3[%select_n3A, %select_n3A_42, %dma_start3A_63, %dma_start3A_64] : memref<26x32x3125x32xf32, #tpu.memory_space<hbm>> -> memref<1x1x3125x32xf32, #tpu.memory_space<hbm>>
      %dma_start3A_66 = tpu.memref_squeeze %dma_start3A_65 : memref<1x1x3125x32xf32, #tpu.memory_space<hbm>> -> memref<3125x32xf32, #tpu.memory_space<hbm>>
      %dma_start3A_67 = arith.constant 0 : i32
      %dma_start3A_68 = arith.constant 0 : i32
      %dma_start3A_69 = tpu.memref_slice %dma_start3A_66[%dma_start3A_67, %dma_start3A_68] : memref<3125x32xf32, #tpu.memory_space<hbm>> -> memref<3125x32xf32, #tpu.memory_space<hbm>>
      tpu.enqueue_indirect_dma source(%dma_start3A_69 : memref<3125x32xf32, #tpu.memory_space<hbm>>) target(%dma_start3A_59 : memref<125x32xf32, #tpu.memory_space<vmem>>) offsets(%dma_start3A_62 : memref<125xi32, #tpu.memory_space<vmem>>) semaphore(%arg12 : memref<!tpu.dma_semaphore, #tpu.memory_space<semaphore_mem>>)
      %dma_start3A_70 = arith.constant 2 : i32
      %dma_start3A_71 = arith.constant 250 : i32
      %dma_start3A_72 = arith.constant 0 : i32
      %dma_start3A_73 = tpu.memref_slice %arg6[%dma_start3A_71, %dma_start3A_72] : memref<3125x32xf32, #tpu.memory_space<vmem>> -> memref<125x32xf32, #tpu.memory_space<vmem>>
      %dma_start3A_74 = arith.constant 0 : i32
      %dma_start3A_75 = tpu.memref_slice %arg9[%dma_start3A_70, %dma_start3A_74] : memref<25x125xi32, #tpu.memory_space<vmem>> -> memref<1x125xi32, #tpu.memory_space<vmem>>
      %dma_start3A_76 = tpu.memref_squeeze %dma_start3A_75 : memref<1x125xi32, #tpu.memory_space<vmem>> -> memref<125xi32, #tpu.memory_space<vmem>>
      %dma_start3A_77 = arith.constant 0 : i32
      %dma_start3A_78 = arith.constant 0 : i32
      %dma_start3A_79 = tpu.memref_slice %arg3[%select_n3A, %select_n3A_42, %dma_start3A_77, %dma_start3A_78] : memref<26x32x3125x32xf32, #tpu.memory_space<hbm>> -> memref<1x1x3125x32xf32, #tpu.memory_space<hbm>>
      %dma_start3A_80 = tpu.memref_squeeze %dma_start3A_79 : memref<1x1x3125x32xf32, #tpu.memory_space<hbm>> -> memref<3125x32xf32, #tpu.memory_space<hbm>>
      %dma_start3A_81 = arith.constant 0 : i32
      %dma_start3A_82 = arith.constant 0 : i32
      %dma_start3A_83 = tpu.memref_slice %dma_start3A_80[%dma_start3A_81, %dma_start3A_82] : memref<3125x32xf32, #tpu.memory_space<hbm>> -> memref<3125x32xf32, #tpu.memory_space<hbm>>
      tpu.enqueue_indirect_dma source(%dma_start3A_83 : memref<3125x32xf32, #tpu.memory_space<hbm>>) target(%dma_start3A_73 : memref<125x32xf32, #tpu.memory_space<vmem>>) offsets(%dma_start3A_76 : memref<125xi32, #tpu.memory_space<vmem>>) semaphore(%arg12 : memref<!tpu.dma_semaphore, #tpu.memory_space<semaphore_mem>>)
      %dma_start3A_84 = arith.constant 3 : i32
      %dma_start3A_85 = arith.constant 375 : i32
      %dma_start3A_86 = arith.constant 0 : i32
      %dma_start3A_87 = tpu.memref_slice %arg6[%dma_start3A_85, %dma_start3A_86] : memref<3125x32xf32, #tpu.memory_space<vmem>> -> memref<125x32xf32, #tpu.memory_space<vmem>>
      %dma_start3A_88 = arith.constant 0 : i32
      %dma_start3A_89 = tpu.memref_slice %arg9[%dma_start3A_84, %dma_start3A_88] : memref<25x125xi32, #tpu.memory_space<vmem>> -> memref<1x125xi32, #tpu.memory_space<vmem>>
      %dma_start3A_90 = tpu.memref_squeeze %dma_start3A_89 : memref<1x125xi32, #tpu.memory_space<vmem>> -> memref<125xi32, #tpu.memory_space<vmem>>
      %dma_start3A_91 = arith.constant 0 : i32
      %dma_start3A_92 = arith.constant 0 : i32
      %dma_start3A_93 = tpu.memref_slice %arg3[%select_n3A, %select_n3A_42, %dma_start3A_91, %dma_start3A_92] : memref<26x32x3125x32xf32, #tpu.memory_space<hbm>> -> memref<1x1x3125x32xf32, #tpu.memory_space<hbm>>
      %dma_start3A_94 = tpu.memref_squeeze %dma_start3A_93 : memref<1x1x3125x32xf32, #tpu.memory_space<hbm>> -> memref<3125x32xf32, #tpu.memory_space<hbm>>
      %dma_start3A_95 = arith.constant 0 : i32
      %dma_start3A_96 = arith.constant 0 : i32
      %dma_start3A_97 = tpu.memref_slice %dma_start3A_94[%dma_start3A_95, %dma_start3A_96] : memref<3125x32xf32, #tpu.memory_space<hbm>> -> memref<3125x32xf32, #tpu.memory_space<hbm>>
      tpu.enqueue_indirect_dma source(%dma_start3A_97 : memref<3125x32xf32, #tpu.memory_space<hbm>>) target(%dma_start3A_87 : memref<125x32xf32, #tpu.memory_space<vmem>>) offsets(%dma_start3A_90 : memref<125xi32, #tpu.memory_space<vmem>>) semaphore(%arg12 : memref<!tpu.dma_semaphore, #tpu.memory_space<semaphore_mem>>)
      %dma_start3A_98 = arith.constant 4 : i32
      %dma_start3A_99 = arith.constant 500 : i32
      %dma_start3A_100 = arith.constant 0 : i32
      %dma_start3A_101 = tpu.memref_slice %arg6[%dma_start3A_99, %dma_start3A_100] : memref<3125x32xf32, #tpu.memory_space<vmem>> -> memref<125x32xf32, #tpu.memory_space<vmem>>
      %dma_start3A_102 = arith.constant 0 : i32
      %dma_start3A_103 = tpu.memref_slice %arg9[%dma_start3A_98, %dma_start3A_102] : memref<25x125xi32, #tpu.memory_space<vmem>> -> memref<1x125xi32, #tpu.memory_space<vmem>>
      %dma_start3A_104 = tpu.memref_squeeze %dma_start3A_103 : memref<1x125xi32, #tpu.memory_space<vmem>> -> memref<125xi32, #tpu.memory_space<vmem>>
      %dma_start3A_105 = arith.constant 0 : i32
      %dma_start3A_106 = arith.constant 0 : i32
      %dma_start3A_107 = tpu.memref_slice %arg3[%select_n3A, %select_n3A_42, %dma_start3A_105, %dma_start3A_106] : memref<26x32x3125x32xf32, #tpu.memory_space<hbm>> -> memref<1x1x3125x32xf32, #tpu.memory_space<hbm>>
      %dma_start3A_108 = tpu.memref_squeeze %dma_start3A_107 : memref<1x1x3125x32xf32, #tpu.memory_space<hbm>> -> memref<3125x32xf32, #tpu.memory_space<hbm>>
      %dma_start3A_109 = arith.constant 0 : i32
      %dma_start3A_110 = arith.constant 0 : i32
      %dma_start3A_111 = tpu.memref_slice %dma_start3A_108[%dma_start3A_109, %dma_start3A_110] : memref<3125x32xf32, #tpu.memory_space<hbm>> -> memref<3125x32xf32, #tpu.memory_space<hbm>>
      tpu.enqueue_indirect_dma source(%dma_start3A_111 : memref<3125x32xf32, #tpu.memory_space<hbm>>) target(%dma_start3A_101 : memref<125x32xf32, #tpu.memory_space<vmem>>) offsets(%dma_start3A_104 : memref<125xi32, #tpu.memory_space<vmem>>) semaphore(%arg12 : memref<!tpu.dma_semaphore, #tpu.memory_space<semaphore_mem>>)
      %dma_start3A_112 = arith.constant 5 : i32
      %dma_start3A_113 = arith.constant 625 : i32
      %dma_start3A_114 = arith.constant 0 : i32
      %dma_start3A_115 = tpu.memref_slice %arg6[%dma_start3A_113, %dma_start3A_114] : memref<3125x32xf32, #tpu.memory_space<vmem>> -> memref<125x32xf32, #tpu.memory_space<vmem>>
      %dma_start3A_116 = arith.constant 0 : i32
      %dma_start3A_117 = tpu.memref_slice %arg9[%dma_start3A_112, %dma_start3A_116] : memref<25x125xi32, #tpu.memory_space<vmem>> -> memref<1x125xi32, #tpu.memory_space<vmem>>
      %dma_start3A_118 = tpu.memref_squeeze %dma_start3A_117 : memref<1x125xi32, #tpu.memory_space<vmem>> -> memref<125xi32, #tpu.memory_space<vmem>>
      %dma_start3A_119 = arith.constant 0 : i32
      %dma_start3A_120 = arith.constant 0 : i32
      %dma_start3A_121 = tpu.memref_slice %arg3[%select_n3A, %select_n3A_42, %dma_start3A_119, %dma_start3A_120] : memref<26x32x3125x32xf32, #tpu.memory_space<hbm>> -> memref<1x1x3125x32xf32, #tpu.memory_space<hbm>>
      %dma_start3A_122 = tpu.memref_squeeze %dma_start3A_121 : memref<1x1x3125x32xf32, #tpu.memory_space<hbm>> -> memref<3125x32xf32, #tpu.memory_space<hbm>>
      %dma_start3A_123 = arith.constant 0 : i32
      %dma_start3A_124 = arith.constant 0 : i32
      %dma_start3A_125 = tpu.memref_slice %dma_start3A_122[%dma_start3A_123, %dma_start3A_124] : memref<3125x32xf32, #tpu.memory_space<hbm>> -> memref<3125x32xf32, #tpu.memory_space<hbm>>
      tpu.enqueue_indirect_dma source(%dma_start3A_125 : memref<3125x32xf32, #tpu.memory_space<hbm>>) target(%dma_start3A_115 : memref<125x32xf32, #tpu.memory_space<vmem>>) offsets(%dma_start3A_118 : memref<125xi32, #tpu.memory_space<vmem>>) semaphore(%arg12 : memref<!tpu.dma_semaphore, #tpu.memory_space<semaphore_mem>>)
      %dma_start3A_126 = arith.constant 6 : i32
      %dma_start3A_127 = arith.constant 750 : i32
      %dma_start3A_128 = arith.constant 0 : i32
      %dma_start3A_129 = tpu.memref_slice %arg6[%dma_start3A_127, %dma_start3A_128] : memref<3125x32xf32, #tpu.memory_space<vmem>> -> memref<125x32xf32, #tpu.memory_space<vmem>>
      %dma_start3A_130 = arith.constant 0 : i32
      %dma_start3A_131 = tpu.memref_slice %arg9[%dma_start3A_126, %dma_start3A_130] : memref<25x125xi32, #tpu.memory_space<vmem>> -> memref<1x125xi32, #tpu.memory_space<vmem>>
      %dma_start3A_132 = tpu.memref_squeeze %dma_start3A_131 : memref<1x125xi32, #tpu.memory_space<vmem>> -> memref<125xi32, #tpu.memory_space<vmem>>
      %dma_start3A_133 = arith.constant 0 : i32
      %dma_start3A_134 = arith.constant 0 : i32
      %dma_start3A_135 = tpu.memref_slice %arg3[%select_n3A, %select_n3A_42, %dma_start3A_133, %dma_start3A_134] : memref<26x32x3125x32xf32, #tpu.memory_space<hbm>> -> memref<1x1x3125x32xf32, #tpu.memory_space<hbm>>
      %dma_start3A_136 = tpu.memref_squeeze %dma_start3A_135 : memref<1x1x3125x32xf32, #tpu.memory_space<hbm>> -> memref<3125x32xf32, #tpu.memory_space<hbm>>
      %dma_start3A_137 = arith.constant 0 : i32
      %dma_start3A_138 = arith.constant 0 : i32
      %dma_start3A_139 = tpu.memref_slice %dma_start3A_136[%dma_start3A_137, %dma_start3A_138] : memref<3125x32xf32, #tpu.memory_space<hbm>> -> memref<3125x32xf32, #tpu.memory_space<hbm>>
      tpu.enqueue_indirect_dma source(%dma_start3A_139 : memref<3125x32xf32, #tpu.memory_space<hbm>>) target(%dma_start3A_129 : memref<125x32xf32, #tpu.memory_space<vmem>>) offsets(%dma_start3A_132 : memref<125xi32, #tpu.memory_space<vmem>>) semaphore(%arg12 : memref<!tpu.dma_semaphore, #tpu.memory_space<semaphore_mem>>)
      %dma_start3A_140 = arith.constant 7 : i32
      %dma_start3A_141 = arith.constant 875 : i32
      %dma_start3A_142 = arith.constant 0 : i32
      %dma_start3A_143 = tpu.memref_slice %arg6[%dma_start3A_141, %dma_start3A_142] : memref<3125x32xf32, #tpu.memory_space<vmem>> -> memref<125x32xf32, #tpu.memory_space<vmem>>
      %dma_start3A_144 = arith.constant 0 : i32
      %dma_start3A_145 = tpu.memref_slice %arg9[%dma_start3A_140, %dma_start3A_144] : memref<25x125xi32, #tpu.memory_space<vmem>> -> memref<1x125xi32, #tpu.memory_space<vmem>>
      %dma_start3A_146 = tpu.memref_squeeze %dma_start3A_145 : memref<1x125xi32, #tpu.memory_space<vmem>> -> memref<125xi32, #tpu.memory_space<vmem>>
      %dma_start3A_147 = arith.constant 0 : i32
      %dma_start3A_148 = arith.constant 0 : i32
      %dma_start3A_149 = tpu.memref_slice %arg3[%select_n3A, %select_n3A_42, %dma_start3A_147, %dma_start3A_148] : memref<26x32x3125x32xf32, #tpu.memory_space<hbm>> -> memref<1x1x3125x32xf32, #tpu.memory_space<hbm>>
      %dma_start3A_150 = tpu.memref_squeeze %dma_start3A_149 : memref<1x1x3125x32xf32, #tpu.memory_space<hbm>> -> memref<3125x32xf32, #tpu.memory_space<hbm>>
      %dma_start3A_151 = arith.constant 0 : i32
      %dma_start3A_152 = arith.constant 0 : i32
      %dma_start3A_153 = tpu.memref_slice %dma_start3A_150[%dma_start3A_151, %dma_start3A_152] : memref<3125x32xf32, #tpu.memory_space<hbm>> -> memref<3125x32xf32, #tpu.memory_space<hbm>>
      tpu.enqueue_indirect_dma source(%dma_start3A_153 : memref<3125x32xf32, #tpu.memory_space<hbm>>) target(%dma_start3A_143 : memref<125x32xf32, #tpu.memory_space<vmem>>) offsets(%dma_start3A_146 : memref<125xi32, #tpu.memory_space<vmem>>) semaphore(%arg12 : memref<!tpu.dma_semaphore, #tpu.memory_space<semaphore_mem>>)
      %dma_start3A_154 = arith.constant 8 : i32
      %dma_start3A_155 = arith.constant 1000 : i32
      %dma_start3A_156 = arith.constant 0 : i32
      %dma_start3A_157 = tpu.memref_slice %arg6[%dma_start3A_155, %dma_start3A_156] : memref<3125x32xf32, #tpu.memory_space<vmem>> -> memref<125x32xf32, #tpu.memory_space<vmem>>
      %dma_start3A_158 = arith.constant 0 : i32
      %dma_start3A_159 = tpu.memref_slice %arg9[%dma_start3A_154, %dma_start3A_158] : memref<25x125xi32, #tpu.memory_space<vmem>> -> memref<1x125xi32, #tpu.memory_space<vmem>>
      %dma_start3A_160 = tpu.memref_squeeze %dma_start3A_159 : memref<1x125xi32, #tpu.memory_space<vmem>> -> memref<125xi32, #tpu.memory_space<vmem>>
      %dma_start3A_161 = arith.constant 0 : i32
      %dma_start3A_162 = arith.constant 0 : i32
      %dma_start3A_163 = tpu.memref_slice %arg3[%select_n3A, %select_n3A_42, %dma_start3A_161, %dma_start3A_162] : memref<26x32x3125x32xf32, #tpu.memory_space<hbm>> -> memref<1x1x3125x32xf32, #tpu.memory_space<hbm>>
      %dma_start3A_164 = tpu.memref_squeeze %dma_start3A_163 : memref<1x1x3125x32xf32, #tpu.memory_space<hbm>> -> memref<3125x32xf32, #tpu.memory_space<hbm>>
      %dma_start3A_165 = arith.constant 0 : i32
      %dma_start3A_166 = arith.constant 0 : i32
      %dma_start3A_167 = tpu.memref_slice %dma_start3A_164[%dma_start3A_165, %dma_start3A_166] : memref<3125x32xf32, #tpu.memory_space<hbm>> -> memref<3125x32xf32, #tpu.memory_space<hbm>>
      tpu.enqueue_indirect_dma source(%dma_start3A_167 : memref<3125x32xf32, #tpu.memory_space<hbm>>) target(%dma_start3A_157 : memref<125x32xf32, #tpu.memory_space<vmem>>) offsets(%dma_start3A_160 : memref<125xi32, #tpu.memory_space<vmem>>) semaphore(%arg12 : memref<!tpu.dma_semaphore, #tpu.memory_space<semaphore_mem>>)
      %dma_start3A_168 = arith.constant 9 : i32
      %dma_start3A_169 = arith.constant 1125 : i32
      %dma_start3A_170 = arith.constant 0 : i32
      %dma_start3A_171 = tpu.memref_slice %arg6[%dma_start3A_169, %dma_start3A_170] : memref<3125x32xf32, #tpu.memory_space<vmem>> -> memref<125x32xf32, #tpu.memory_space<vmem>>
      %dma_start3A_172 = arith.constant 0 : i32
      %dma_start3A_173 = tpu.memref_slice %arg9[%dma_start3A_168, %dma_start3A_172] : memref<25x125xi32, #tpu.memory_space<vmem>> -> memref<1x125xi32, #tpu.memory_space<vmem>>
      %dma_start3A_174 = tpu.memref_squeeze %dma_start3A_173 : memref<1x125xi32, #tpu.memory_space<vmem>> -> memref<125xi32, #tpu.memory_space<vmem>>
      %dma_start3A_175 = arith.constant 0 : i32
      %dma_start3A_176 = arith.constant 0 : i32
      %dma_start3A_177 = tpu.memref_slice %arg3[%select_n3A, %select_n3A_42, %dma_start3A_175, %dma_start3A_176] : memref<26x32x3125x32xf32, #tpu.memory_space<hbm>> -> memref<1x1x3125x32xf32, #tpu.memory_space<hbm>>
      %dma_start3A_178 = tpu.memref_squeeze %dma_start3A_177 : memref<1x1x3125x32xf32, #tpu.memory_space<hbm>> -> memref<3125x32xf32, #tpu.memory_space<hbm>>
      %dma_start3A_179 = arith.constant 0 : i32
      %dma_start3A_180 = arith.constant 0 : i32
      %dma_start3A_181 = tpu.memref_slice %dma_start3A_178[%dma_start3A_179, %dma_start3A_180] : memref<3125x32xf32, #tpu.memory_space<hbm>> -> memref<3125x32xf32, #tpu.memory_space<hbm>>
      tpu.enqueue_indirect_dma source(%dma_start3A_181 : memref<3125x32xf32, #tpu.memory_space<hbm>>) target(%dma_start3A_171 : memref<125x32xf32, #tpu.memory_space<vmem>>) offsets(%dma_start3A_174 : memref<125xi32, #tpu.memory_space<vmem>>) semaphore(%arg12 : memref<!tpu.dma_semaphore, #tpu.memory_space<semaphore_mem>>)
      %dma_start3A_182 = arith.constant 10 : i32
      %dma_start3A_183 = arith.constant 1250 : i32
      %dma_start3A_184 = arith.constant 0 : i32
      %dma_start3A_185 = tpu.memref_slice %arg6[%dma_start3A_183, %dma_start3A_184] : memref<3125x32xf32, #tpu.memory_space<vmem>> -> memref<125x32xf32, #tpu.memory_space<vmem>>
      %dma_start3A_186 = arith.constant 0 : i32
      %dma_start3A_187 = tpu.memref_slice %arg9[%dma_start3A_182, %dma_start3A_186] : memref<25x125xi32, #tpu.memory_space<vmem>> -> memref<1x125xi32, #tpu.memory_space<vmem>>
      %dma_start3A_188 = tpu.memref_squeeze %dma_start3A_187 : memref<1x125xi32, #tpu.memory_space<vmem>> -> memref<125xi32, #tpu.memory_space<vmem>>
      %dma_start3A_189 = arith.constant 0 : i32
      %dma_start3A_190 = arith.constant 0 : i32
      %dma_start3A_191 = tpu.memref_slice %arg3[%select_n3A, %select_n3A_42, %dma_start3A_189, %dma_start3A_190] : memref<26x32x3125x32xf32, #tpu.memory_space<hbm>> -> memref<1x1x3125x32xf32, #tpu.memory_space<hbm>>
      %dma_start3A_192 = tpu.memref_squeeze %dma_start3A_191 : memref<1x1x3125x32xf32, #tpu.memory_space<hbm>> -> memref<3125x32xf32, #tpu.memory_space<hbm>>
      %dma_start3A_193 = arith.constant 0 : i32
      %dma_start3A_194 = arith.constant 0 : i32
      %dma_start3A_195 = tpu.memref_slice %dma_start3A_192[%dma_start3A_193, %dma_start3A_194] : memref<3125x32xf32, #tpu.memory_space<hbm>> -> memref<3125x32xf32, #tpu.memory_space<hbm>>
      tpu.enqueue_indirect_dma source(%dma_start3A_195 : memref<3125x32xf32, #tpu.memory_space<hbm>>) target(%dma_start3A_185 : memref<125x32xf32, #tpu.memory_space<vmem>>) offsets(%dma_start3A_188 : memref<125xi32, #tpu.memory_space<vmem>>) semaphore(%arg12 : memref<!tpu.dma_semaphore, #tpu.memory_space<semaphore_mem>>)
      %dma_start3A_196 = arith.constant 11 : i32
      %dma_start3A_197 = arith.constant 1375 : i32
      %dma_start3A_198 = arith.constant 0 : i32
      %dma_start3A_199 = tpu.memref_slice %arg6[%dma_start3A_197, %dma_start3A_198] : memref<3125x32xf32, #tpu.memory_space<vmem>> -> memref<125x32xf32, #tpu.memory_space<vmem>>
      %dma_start3A_200 = arith.constant 0 : i32
      %dma_start3A_201 = tpu.memref_slice %arg9[%dma_start3A_196, %dma_start3A_200] : memref<25x125xi32, #tpu.memory_space<vmem>> -> memref<1x125xi32, #tpu.memory_space<vmem>>
      %dma_start3A_202 = tpu.memref_squeeze %dma_start3A_201 : memref<1x125xi32, #tpu.memory_space<vmem>> -> memref<125xi32, #tpu.memory_space<vmem>>
      %dma_start3A_203 = arith.constant 0 : i32
      %dma_start3A_204 = arith.constant 0 : i32
      %dma_start3A_205 = tpu.memref_slice %arg3[%select_n3A, %select_n3A_42, %dma_start3A_203, %dma_start3A_204] : memref<26x32x3125x32xf32, #tpu.memory_space<hbm>> -> memref<1x1x3125x32xf32, #tpu.memory_space<hbm>>
      %dma_start3A_206 = tpu.memref_squeeze %dma_start3A_205 : memref<1x1x3125x32xf32, #tpu.memory_space<hbm>> -> memref<3125x32xf32, #tpu.memory_space<hbm>>
      %dma_start3A_207 = arith.constant 0 : i32
      %dma_start3A_208 = arith.constant 0 : i32
      %dma_start3A_209 = tpu.memref_slice %dma_start3A_206[%dma_start3A_207, %dma_start3A_208] : memref<3125x32xf32, #tpu.memory_space<hbm>> -> memref<3125x32xf32, #tpu.memory_space<hbm>>
      tpu.enqueue_indirect_dma source(%dma_start3A_209 : memref<3125x32xf32, #tpu.memory_space<hbm>>) target(%dma_start3A_199 : memref<125x32xf32, #tpu.memory_space<vmem>>) offsets(%dma_start3A_202 : memref<125xi32, #tpu.memory_space<vmem>>) semaphore(%arg12 : memref<!tpu.dma_semaphore, #tpu.memory_space<semaphore_mem>>)
      %dma_start3A_210 = arith.constant 12 : i32
      %dma_start3A_211 = arith.constant 1500 : i32
      %dma_start3A_212 = arith.constant 0 : i32
      %dma_start3A_213 = tpu.memref_slice %arg6[%dma_start3A_211, %dma_start3A_212] : memref<3125x32xf32, #tpu.memory_space<vmem>> -> memref<125x32xf32, #tpu.memory_space<vmem>>
      %dma_start3A_214 = arith.constant 0 : i32
      %dma_start3A_215 = tpu.memref_slice %arg9[%dma_start3A_210, %dma_start3A_214] : memref<25x125xi32, #tpu.memory_space<vmem>> -> memref<1x125xi32, #tpu.memory_space<vmem>>
      %dma_start3A_216 = tpu.memref_squeeze %dma_start3A_215 : memref<1x125xi32, #tpu.memory_space<vmem>> -> memref<125xi32, #tpu.memory_space<vmem>>
      %dma_start3A_217 = arith.constant 0 : i32
      %dma_start3A_218 = arith.constant 0 : i32
      %dma_start3A_219 = tpu.memref_slice %arg3[%select_n3A, %select_n3A_42, %dma_start3A_217, %dma_start3A_218] : memref<26x32x3125x32xf32, #tpu.memory_space<hbm>> -> memref<1x1x3125x32xf32, #tpu.memory_space<hbm>>
      %dma_start3A_220 = tpu.memref_squeeze %dma_start3A_219 : memref<1x1x3125x32xf32, #tpu.memory_space<hbm>> -> memref<3125x32xf32, #tpu.memory_space<hbm>>
      %dma_start3A_221 = arith.constant 0 : i32
      %dma_start3A_222 = arith.constant 0 : i32
      %dma_start3A_223 = tpu.memref_slice %dma_start3A_220[%dma_start3A_221, %dma_start3A_222] : memref<3125x32xf32, #tpu.memory_space<hbm>> -> memref<3125x32xf32, #tpu.memory_space<hbm>>
      tpu.enqueue_indirect_dma source(%dma_start3A_223 : memref<3125x32xf32, #tpu.memory_space<hbm>>) target(%dma_start3A_213 : memref<125x32xf32, #tpu.memory_space<vmem>>) offsets(%dma_start3A_216 : memref<125xi32, #tpu.memory_space<vmem>>) semaphore(%arg12 : memref<!tpu.dma_semaphore, #tpu.memory_space<semaphore_mem>>)
      %dma_start3A_224 = arith.constant 13 : i32
      %dma_start3A_225 = arith.constant 1625 : i32
      %dma_start3A_226 = arith.constant 0 : i32
      %dma_start3A_227 = tpu.memref_slice %arg6[%dma_start3A_225, %dma_start3A_226] : memref<3125x32xf32, #tpu.memory_space<vmem>> -> memref<125x32xf32, #tpu.memory_space<vmem>>
      %dma_start3A_228 = arith.constant 0 : i32
      %dma_start3A_229 = tpu.memref_slice %arg9[%dma_start3A_224, %dma_start3A_228] : memref<25x125xi32, #tpu.memory_space<vmem>> -> memref<1x125xi32, #tpu.memory_space<vmem>>
      %dma_start3A_230 = tpu.memref_squeeze %dma_start3A_229 : memref<1x125xi32, #tpu.memory_space<vmem>> -> memref<125xi32, #tpu.memory_space<vmem>>
      %dma_start3A_231 = arith.constant 0 : i32
      %dma_start3A_232 = arith.constant 0 : i32
      %dma_start3A_233 = tpu.memref_slice %arg3[%select_n3A, %select_n3A_42, %dma_start3A_231, %dma_start3A_232] : memref<26x32x3125x32xf32, #tpu.memory_space<hbm>> -> memref<1x1x3125x32xf32, #tpu.memory_space<hbm>>
      %dma_start3A_234 = tpu.memref_squeeze %dma_start3A_233 : memref<1x1x3125x32xf32, #tpu.memory_space<hbm>> -> memref<3125x32xf32, #tpu.memory_space<hbm>>
      %dma_start3A_235 = arith.constant 0 : i32
      %dma_start3A_236 = arith.constant 0 : i32
      %dma_start3A_237 = tpu.memref_slice %dma_start3A_234[%dma_start3A_235, %dma_start3A_236] : memref<3125x32xf32, #tpu.memory_space<hbm>> -> memref<3125x32xf32, #tpu.memory_space<hbm>>
      tpu.enqueue_indirect_dma source(%dma_start3A_237 : memref<3125x32xf32, #tpu.memory_space<hbm>>) target(%dma_start3A_227 : memref<125x32xf32, #tpu.memory_space<vmem>>) offsets(%dma_start3A_230 : memref<125xi32, #tpu.memory_space<vmem>>) semaphore(%arg12 : memref<!tpu.dma_semaphore, #tpu.memory_space<semaphore_mem>>)
      %dma_start3A_238 = arith.constant 14 : i32
      %dma_start3A_239 = arith.constant 1750 : i32
      %dma_start3A_240 = arith.constant 0 : i32
      %dma_start3A_241 = tpu.memref_slice %arg6[%dma_start3A_239, %dma_start3A_240] : memref<3125x32xf32, #tpu.memory_space<vmem>> -> memref<125x32xf32, #tpu.memory_space<vmem>>
      %dma_start3A_242 = arith.constant 0 : i32
      %dma_start3A_243 = tpu.memref_slice %arg9[%dma_start3A_238, %dma_start3A_242] : memref<25x125xi32, #tpu.memory_space<vmem>> -> memref<1x125xi32, #tpu.memory_space<vmem>>
      %dma_start3A_244 = tpu.memref_squeeze %dma_start3A_243 : memref<1x125xi32, #tpu.memory_space<vmem>> -> memref<125xi32, #tpu.memory_space<vmem>>
      %dma_start3A_245 = arith.constant 0 : i32
      %dma_start3A_246 = arith.constant 0 : i32
      %dma_start3A_247 = tpu.memref_slice %arg3[%select_n3A, %select_n3A_42, %dma_start3A_245, %dma_start3A_246] : memref<26x32x3125x32xf32, #tpu.memory_space<hbm>> -> memref<1x1x3125x32xf32, #tpu.memory_space<hbm>>
      %dma_start3A_248 = tpu.memref_squeeze %dma_start3A_247 : memref<1x1x3125x32xf32, #tpu.memory_space<hbm>> -> memref<3125x32xf32, #tpu.memory_space<hbm>>
      %dma_start3A_249 = arith.constant 0 : i32
      %dma_start3A_250 = arith.constant 0 : i32
      %dma_start3A_251 = tpu.memref_slice %dma_start3A_248[%dma_start3A_249, %dma_start3A_250] : memref<3125x32xf32, #tpu.memory_space<hbm>> -> memref<3125x32xf32, #tpu.memory_space<hbm>>
      tpu.enqueue_indirect_dma source(%dma_start3A_251 : memref<3125x32xf32, #tpu.memory_space<hbm>>) target(%dma_start3A_241 : memref<125x32xf32, #tpu.memory_space<vmem>>) offsets(%dma_start3A_244 : memref<125xi32, #tpu.memory_space<vmem>>) semaphore(%arg12 : memref<!tpu.dma_semaphore, #tpu.memory_space<semaphore_mem>>)
      %dma_start3A_252 = arith.constant 15 : i32
      %dma_start3A_253 = arith.constant 1875 : i32
      %dma_start3A_254 = arith.constant 0 : i32
      %dma_start3A_255 = tpu.memref_slice %arg6[%dma_start3A_253, %dma_start3A_254] : memref<3125x32xf32, #tpu.memory_space<vmem>> -> memref<125x32xf32, #tpu.memory_space<vmem>>
      %dma_start3A_256 = arith.constant 0 : i32
      %dma_start3A_257 = tpu.memref_slice %arg9[%dma_start3A_252, %dma_start3A_256] : memref<25x125xi32, #tpu.memory_space<vmem>> -> memref<1x125xi32, #tpu.memory_space<vmem>>
      %dma_start3A_258 = tpu.memref_squeeze %dma_start3A_257 : memref<1x125xi32, #tpu.memory_space<vmem>> -> memref<125xi32, #tpu.memory_space<vmem>>
      %dma_start3A_259 = arith.constant 0 : i32
      %dma_start3A_260 = arith.constant 0 : i32
      %dma_start3A_261 = tpu.memref_slice %arg3[%select_n3A, %select_n3A_42, %dma_start3A_259, %dma_start3A_260] : memref<26x32x3125x32xf32, #tpu.memory_space<hbm>> -> memref<1x1x3125x32xf32, #tpu.memory_space<hbm>>
      %dma_start3A_262 = tpu.memref_squeeze %dma_start3A_261 : memref<1x1x3125x32xf32, #tpu.memory_space<hbm>> -> memref<3125x32xf32, #tpu.memory_space<hbm>>
      %dma_start3A_263 = arith.constant 0 : i32
      %dma_start3A_264 = arith.constant 0 : i32
      %dma_start3A_265 = tpu.memref_slice %dma_start3A_262[%dma_start3A_263, %dma_start3A_264] : memref<3125x32xf32, #tpu.memory_space<hbm>> -> memref<3125x32xf32, #tpu.memory_space<hbm>>
      tpu.enqueue_indirect_dma source(%dma_start3A_265 : memref<3125x32xf32, #tpu.memory_space<hbm>>) target(%dma_start3A_255 : memref<125x32xf32, #tpu.memory_space<vmem>>) offsets(%dma_start3A_258 : memref<125xi32, #tpu.memory_space<vmem>>) semaphore(%arg12 : memref<!tpu.dma_semaphore, #tpu.memory_space<semaphore_mem>>)
      %dma_start3A_266 = arith.constant 16 : i32
      %dma_start3A_267 = arith.constant 2000 : i32
      %dma_start3A_268 = arith.constant 0 : i32
      %dma_start3A_269 = tpu.memref_slice %arg6[%dma_start3A_267, %dma_start3A_268] : memref<3125x32xf32, #tpu.memory_space<vmem>> -> memref<125x32xf32, #tpu.memory_space<vmem>>
      %dma_start3A_270 = arith.constant 0 : i32
      %dma_start3A_271 = tpu.memref_slice %arg9[%dma_start3A_266, %dma_start3A_270] : memref<25x125xi32, #tpu.memory_space<vmem>> -> memref<1x125xi32, #tpu.memory_space<vmem>>
      %dma_start3A_272 = tpu.memref_squeeze %dma_start3A_271 : memref<1x125xi32, #tpu.memory_space<vmem>> -> memref<125xi32, #tpu.memory_space<vmem>>
      %dma_start3A_273 = arith.constant 0 : i32
      %dma_start3A_274 = arith.constant 0 : i32
      %dma_start3A_275 = tpu.memref_slice %arg3[%select_n3A, %select_n3A_42, %dma_start3A_273, %dma_start3A_274] : memref<26x32x3125x32xf32, #tpu.memory_space<hbm>> -> memref<1x1x3125x32xf32, #tpu.memory_space<hbm>>
      %dma_start3A_276 = tpu.memref_squeeze %dma_start3A_275 : memref<1x1x3125x32xf32, #tpu.memory_space<hbm>> -> memref<3125x32xf32, #tpu.memory_space<hbm>>
      %dma_start3A_277 = arith.constant 0 : i32
      %dma_start3A_278 = arith.constant 0 : i32
      %dma_start3A_279 = tpu.memref_slice %dma_start3A_276[%dma_start3A_277, %dma_start3A_278] : memref<3125x32xf32, #tpu.memory_space<hbm>> -> memref<3125x32xf32, #tpu.memory_space<hbm>>
      tpu.enqueue_indirect_dma source(%dma_start3A_279 : memref<3125x32xf32, #tpu.memory_space<hbm>>) target(%dma_start3A_269 : memref<125x32xf32, #tpu.memory_space<vmem>>) offsets(%dma_start3A_272 : memref<125xi32, #tpu.memory_space<vmem>>) semaphore(%arg12 : memref<!tpu.dma_semaphore, #tpu.memory_space<semaphore_mem>>)
      %dma_start3A_280 = arith.constant 17 : i32
      %dma_start3A_281 = arith.constant 2125 : i32
      %dma_start3A_282 = arith.constant 0 : i32
      %dma_start3A_283 = tpu.memref_slice %arg6[%dma_start3A_281, %dma_start3A_282] : memref<3125x32xf32, #tpu.memory_space<vmem>> -> memref<125x32xf32, #tpu.memory_space<vmem>>
      %dma_start3A_284 = arith.constant 0 : i32
      %dma_start3A_285 = tpu.memref_slice %arg9[%dma_start3A_280, %dma_start3A_284] : memref<25x125xi32, #tpu.memory_space<vmem>> -> memref<1x125xi32, #tpu.memory_space<vmem>>
      %dma_start3A_286 = tpu.memref_squeeze %dma_start3A_285 : memref<1x125xi32, #tpu.memory_space<vmem>> -> memref<125xi32, #tpu.memory_space<vmem>>
      %dma_start3A_287 = arith.constant 0 : i32
      %dma_start3A_288 = arith.constant 0 : i32
      %dma_start3A_289 = tpu.memref_slice %arg3[%select_n3A, %select_n3A_42, %dma_start3A_287, %dma_start3A_288] : memref<26x32x3125x32xf32, #tpu.memory_space<hbm>> -> memref<1x1x3125x32xf32, #tpu.memory_space<hbm>>
      %dma_start3A_290 = tpu.memref_squeeze %dma_start3A_289 : memref<1x1x3125x32xf32, #tpu.memory_space<hbm>> -> memref<3125x32xf32, #tpu.memory_space<hbm>>
      %dma_start3A_291 = arith.constant 0 : i32
      %dma_start3A_292 = arith.constant 0 : i32
      %dma_start3A_293 = tpu.memref_slice %dma_start3A_290[%dma_start3A_291, %dma_start3A_292] : memref<3125x32xf32, #tpu.memory_space<hbm>> -> memref<3125x32xf32, #tpu.memory_space<hbm>>
      tpu.enqueue_indirect_dma source(%dma_start3A_293 : memref<3125x32xf32, #tpu.memory_space<hbm>>) target(%dma_start3A_283 : memref<125x32xf32, #tpu.memory_space<vmem>>) offsets(%dma_start3A_286 : memref<125xi32, #tpu.memory_space<vmem>>) semaphore(%arg12 : memref<!tpu.dma_semaphore, #tpu.memory_space<semaphore_mem>>)
      %dma_start3A_294 = arith.constant 18 : i32
      %dma_start3A_295 = arith.constant 2250 : i32
      %dma_start3A_296 = arith.constant 0 : i32
      %dma_start3A_297 = tpu.memref_slice %arg6[%dma_start3A_295, %dma_start3A_296] : memref<3125x32xf32, #tpu.memory_space<vmem>> -> memref<125x32xf32, #tpu.memory_space<vmem>>
      %dma_start3A_298 = arith.constant 0 : i32
      %dma_start3A_299 = tpu.memref_slice %arg9[%dma_start3A_294, %dma_start3A_298] : memref<25x125xi32, #tpu.memory_space<vmem>> -> memref<1x125xi32, #tpu.memory_space<vmem>>
      %dma_start3A_300 = tpu.memref_squeeze %dma_start3A_299 : memref<1x125xi32, #tpu.memory_space<vmem>> -> memref<125xi32, #tpu.memory_space<vmem>>
      %dma_start3A_301 = arith.constant 0 : i32
      %dma_start3A_302 = arith.constant 0 : i32
      %dma_start3A_303 = tpu.memref_slice %arg3[%select_n3A, %select_n3A_42, %dma_start3A_301, %dma_start3A_302] : memref<26x32x3125x32xf32, #tpu.memory_space<hbm>> -> memref<1x1x3125x32xf32, #tpu.memory_space<hbm>>
      %dma_start3A_304 = tpu.memref_squeeze %dma_start3A_303 : memref<1x1x3125x32xf32, #tpu.memory_space<hbm>> -> memref<3125x32xf32, #tpu.memory_space<hbm>>
      %dma_start3A_305 = arith.constant 0 : i32
      %dma_start3A_306 = arith.constant 0 : i32
      %dma_start3A_307 = tpu.memref_slice %dma_start3A_304[%dma_start3A_305, %dma_start3A_306] : memref<3125x32xf32, #tpu.memory_space<hbm>> -> memref<3125x32xf32, #tpu.memory_space<hbm>>
      tpu.enqueue_indirect_dma source(%dma_start3A_307 : memref<3125x32xf32, #tpu.memory_space<hbm>>) target(%dma_start3A_297 : memref<125x32xf32, #tpu.memory_space<vmem>>) offsets(%dma_start3A_300 : memref<125xi32, #tpu.memory_space<vmem>>) semaphore(%arg12 : memref<!tpu.dma_semaphore, #tpu.memory_space<semaphore_mem>>)
      %dma_start3A_308 = arith.constant 19 : i32
      %dma_start3A_309 = arith.constant 2375 : i32
      %dma_start3A_310 = arith.constant 0 : i32
      %dma_start3A_311 = tpu.memref_slice %arg6[%dma_start3A_309, %dma_start3A_310] : memref<3125x32xf32, #tpu.memory_space<vmem>> -> memref<125x32xf32, #tpu.memory_space<vmem>>
      %dma_start3A_312 = arith.constant 0 : i32
      %dma_start3A_313 = tpu.memref_slice %arg9[%dma_start3A_308, %dma_start3A_312] : memref<25x125xi32, #tpu.memory_space<vmem>> -> memref<1x125xi32, #tpu.memory_space<vmem>>
      %dma_start3A_314 = tpu.memref_squeeze %dma_start3A_313 : memref<1x125xi32, #tpu.memory_space<vmem>> -> memref<125xi32, #tpu.memory_space<vmem>>
      %dma_start3A_315 = arith.constant 0 : i32
      %dma_start3A_316 = arith.constant 0 : i32
      %dma_start3A_317 = tpu.memref_slice %arg3[%select_n3A, %select_n3A_42, %dma_start3A_315, %dma_start3A_316] : memref<26x32x3125x32xf32, #tpu.memory_space<hbm>> -> memref<1x1x3125x32xf32, #tpu.memory_space<hbm>>
      %dma_start3A_318 = tpu.memref_squeeze %dma_start3A_317 : memref<1x1x3125x32xf32, #tpu.memory_space<hbm>> -> memref<3125x32xf32, #tpu.memory_space<hbm>>
      %dma_start3A_319 = arith.constant 0 : i32
      %dma_start3A_320 = arith.constant 0 : i32
      %dma_start3A_321 = tpu.memref_slice %dma_start3A_318[%dma_start3A_319, %dma_start3A_320] : memref<3125x32xf32, #tpu.memory_space<hbm>> -> memref<3125x32xf32, #tpu.memory_space<hbm>>
      tpu.enqueue_indirect_dma source(%dma_start3A_321 : memref<3125x32xf32, #tpu.memory_space<hbm>>) target(%dma_start3A_311 : memref<125x32xf32, #tpu.memory_space<vmem>>) offsets(%dma_start3A_314 : memref<125xi32, #tpu.memory_space<vmem>>) semaphore(%arg12 : memref<!tpu.dma_semaphore, #tpu.memory_space<semaphore_mem>>)
      %dma_start3A_322 = arith.constant 20 : i32
      %dma_start3A_323 = arith.constant 2500 : i32
      %dma_start3A_324 = arith.constant 0 : i32
      %dma_start3A_325 = tpu.memref_slice %arg6[%dma_start3A_323, %dma_start3A_324] : memref<3125x32xf32, #tpu.memory_space<vmem>> -> memref<125x32xf32, #tpu.memory_space<vmem>>
      %dma_start3A_326 = arith.constant 0 : i32
      %dma_start3A_327 = tpu.memref_slice %arg9[%dma_start3A_322, %dma_start3A_326] : memref<25x125xi32, #tpu.memory_space<vmem>> -> memref<1x125xi32, #tpu.memory_space<vmem>>
      %dma_start3A_328 = tpu.memref_squeeze %dma_start3A_327 : memref<1x125xi32, #tpu.memory_space<vmem>> -> memref<125xi32, #tpu.memory_space<vmem>>
      %dma_start3A_329 = arith.constant 0 : i32
      %dma_start3A_330 = arith.constant 0 : i32
      %dma_start3A_331 = tpu.memref_slice %arg3[%select_n3A, %select_n3A_42, %dma_start3A_329, %dma_start3A_330] : memref<26x32x3125x32xf32, #tpu.memory_space<hbm>> -> memref<1x1x3125x32xf32, #tpu.memory_space<hbm>>
      %dma_start3A_332 = tpu.memref_squeeze %dma_start3A_331 : memref<1x1x3125x32xf32, #tpu.memory_space<hbm>> -> memref<3125x32xf32, #tpu.memory_space<hbm>>
      %dma_start3A_333 = arith.constant 0 : i32
      %dma_start3A_334 = arith.constant 0 : i32
      %dma_start3A_335 = tpu.memref_slice %dma_start3A_332[%dma_start3A_333, %dma_start3A_334] : memref<3125x32xf32, #tpu.memory_space<hbm>> -> memref<3125x32xf32, #tpu.memory_space<hbm>>
      tpu.enqueue_indirect_dma source(%dma_start3A_335 : memref<3125x32xf32, #tpu.memory_space<hbm>>) target(%dma_start3A_325 : memref<125x32xf32, #tpu.memory_space<vmem>>) offsets(%dma_start3A_328 : memref<125xi32, #tpu.memory_space<vmem>>) semaphore(%arg12 : memref<!tpu.dma_semaphore, #tpu.memory_space<semaphore_mem>>)
      %dma_start3A_336 = arith.constant 21 : i32
      %dma_start3A_337 = arith.constant 2625 : i32
      %dma_start3A_338 = arith.constant 0 : i32
      %dma_start3A_339 = tpu.memref_slice %arg6[%dma_start3A_337, %dma_start3A_338] : memref<3125x32xf32, #tpu.memory_space<vmem>> -> memref<125x32xf32, #tpu.memory_space<vmem>>
      %dma_start3A_340 = arith.constant 0 : i32
      %dma_start3A_341 = tpu.memref_slice %arg9[%dma_start3A_336, %dma_start3A_340] : memref<25x125xi32, #tpu.memory_space<vmem>> -> memref<1x125xi32, #tpu.memory_space<vmem>>
      %dma_start3A_342 = tpu.memref_squeeze %dma_start3A_341 : memref<1x125xi32, #tpu.memory_space<vmem>> -> memref<125xi32, #tpu.memory_space<vmem>>
      %dma_start3A_343 = arith.constant 0 : i32
      %dma_start3A_344 = arith.constant 0 : i32
      %dma_start3A_345 = tpu.memref_slice %arg3[%select_n3A, %select_n3A_42, %dma_start3A_343, %dma_start3A_344] : memref<26x32x3125x32xf32, #tpu.memory_space<hbm>> -> memref<1x1x3125x32xf32, #tpu.memory_space<hbm>>
      %dma_start3A_346 = tpu.memref_squeeze %dma_start3A_345 : memref<1x1x3125x32xf32, #tpu.memory_space<hbm>> -> memref<3125x32xf32, #tpu.memory_space<hbm>>
      %dma_start3A_347 = arith.constant 0 : i32
      %dma_start3A_348 = arith.constant 0 : i32
      %dma_start3A_349 = tpu.memref_slice %dma_start3A_346[%dma_start3A_347, %dma_start3A_348] : memref<3125x32xf32, #tpu.memory_space<hbm>> -> memref<3125x32xf32, #tpu.memory_space<hbm>>
      tpu.enqueue_indirect_dma source(%dma_start3A_349 : memref<3125x32xf32, #tpu.memory_space<hbm>>) target(%dma_start3A_339 : memref<125x32xf32, #tpu.memory_space<vmem>>) offsets(%dma_start3A_342 : memref<125xi32, #tpu.memory_space<vmem>>) semaphore(%arg12 : memref<!tpu.dma_semaphore, #tpu.memory_space<semaphore_mem>>)
      %dma_start3A_350 = arith.constant 22 : i32
      %dma_start3A_351 = arith.constant 2750 : i32
      %dma_start3A_352 = arith.constant 0 : i32
      %dma_start3A_353 = tpu.memref_slice %arg6[%dma_start3A_351, %dma_start3A_352] : memref<3125x32xf32, #tpu.memory_space<vmem>> -> memref<125x32xf32, #tpu.memory_space<vmem>>
      %dma_start3A_354 = arith.constant 0 : i32
      %dma_start3A_355 = tpu.memref_slice %arg9[%dma_start3A_350, %dma_start3A_354] : memref<25x125xi32, #tpu.memory_space<vmem>> -> memref<1x125xi32, #tpu.memory_space<vmem>>
      %dma_start3A_356 = tpu.memref_squeeze %dma_start3A_355 : memref<1x125xi32, #tpu.memory_space<vmem>> -> memref<125xi32, #tpu.memory_space<vmem>>
      %dma_start3A_357 = arith.constant 0 : i32
      %dma_start3A_358 = arith.constant 0 : i32
      %dma_start3A_359 = tpu.memref_slice %arg3[%select_n3A, %select_n3A_42, %dma_start3A_357, %dma_start3A_358] : memref<26x32x3125x32xf32, #tpu.memory_space<hbm>> -> memref<1x1x3125x32xf32, #tpu.memory_space<hbm>>
      %dma_start3A_360 = tpu.memref_squeeze %dma_start3A_359 : memref<1x1x3125x32xf32, #tpu.memory_space<hbm>> -> memref<3125x32xf32, #tpu.memory_space<hbm>>
      %dma_start3A_361 = arith.constant 0 : i32
      %dma_start3A_362 = arith.constant 0 : i32
      %dma_start3A_363 = tpu.memref_slice %dma_start3A_360[%dma_start3A_361, %dma_start3A_362] : memref<3125x32xf32, #tpu.memory_space<hbm>> -> memref<3125x32xf32, #tpu.memory_space<hbm>>
      tpu.enqueue_indirect_dma source(%dma_start3A_363 : memref<3125x32xf32, #tpu.memory_space<hbm>>) target(%dma_start3A_353 : memref<125x32xf32, #tpu.memory_space<vmem>>) offsets(%dma_start3A_356 : memref<125xi32, #tpu.memory_space<vmem>>) semaphore(%arg12 : memref<!tpu.dma_semaphore, #tpu.memory_space<semaphore_mem>>)
      %dma_start3A_364 = arith.constant 23 : i32
      %dma_start3A_365 = arith.constant 2875 : i32
      %dma_start3A_366 = arith.constant 0 : i32
      %dma_start3A_367 = tpu.memref_slice %arg6[%dma_start3A_365, %dma_start3A_366] : memref<3125x32xf32, #tpu.memory_space<vmem>> -> memref<125x32xf32, #tpu.memory_space<vmem>>
      %dma_start3A_368 = arith.constant 0 : i32
      %dma_start3A_369 = tpu.memref_slice %arg9[%dma_start3A_364, %dma_start3A_368] : memref<25x125xi32, #tpu.memory_space<vmem>> -> memref<1x125xi32, #tpu.memory_space<vmem>>
      %dma_start3A_370 = tpu.memref_squeeze %dma_start3A_369 : memref<1x125xi32, #tpu.memory_space<vmem>> -> memref<125xi32, #tpu.memory_space<vmem>>
      %dma_start3A_371 = arith.constant 0 : i32
      %dma_start3A_372 = arith.constant 0 : i32
      %dma_start3A_373 = tpu.memref_slice %arg3[%select_n3A, %select_n3A_42, %dma_start3A_371, %dma_start3A_372] : memref<26x32x3125x32xf32, #tpu.memory_space<hbm>> -> memref<1x1x3125x32xf32, #tpu.memory_space<hbm>>
      %dma_start3A_374 = tpu.memref_squeeze %dma_start3A_373 : memref<1x1x3125x32xf32, #tpu.memory_space<hbm>> -> memref<3125x32xf32, #tpu.memory_space<hbm>>
      %dma_start3A_375 = arith.constant 0 : i32
      %dma_start3A_376 = arith.constant 0 : i32
      %dma_start3A_377 = tpu.memref_slice %dma_start3A_374[%dma_start3A_375, %dma_start3A_376] : memref<3125x32xf32, #tpu.memory_space<hbm>> -> memref<3125x32xf32, #tpu.memory_space<hbm>>
      tpu.enqueue_indirect_dma source(%dma_start3A_377 : memref<3125x32xf32, #tpu.memory_space<hbm>>) target(%dma_start3A_367 : memref<125x32xf32, #tpu.memory_space<vmem>>) offsets(%dma_start3A_370 : memref<125xi32, #tpu.memory_space<vmem>>) semaphore(%arg12 : memref<!tpu.dma_semaphore, #tpu.memory_space<semaphore_mem>>)
      %dma_start3A_378 = arith.constant 24 : i32
      %dma_start3A_379 = arith.constant 3000 : i32
      %dma_start3A_380 = arith.constant 0 : i32
      %dma_start3A_381 = tpu.memref_slice %arg6[%dma_start3A_379, %dma_start3A_380] : memref<3125x32xf32, #tpu.memory_space<vmem>> -> memref<125x32xf32, #tpu.memory_space<vmem>>
      %dma_start3A_382 = arith.constant 0 : i32
      %dma_start3A_383 = tpu.memref_slice %arg9[%dma_start3A_378, %dma_start3A_382] : memref<25x125xi32, #tpu.memory_space<vmem>> -> memref<1x125xi32, #tpu.memory_space<vmem>>
      %dma_start3A_384 = tpu.memref_squeeze %dma_start3A_383 : memref<1x125xi32, #tpu.memory_space<vmem>> -> memref<125xi32, #tpu.memory_space<vmem>>
      %dma_start3A_385 = arith.constant 0 : i32
      %dma_start3A_386 = arith.constant 0 : i32
      %dma_start3A_387 = tpu.memref_slice %arg3[%select_n3A, %select_n3A_42, %dma_start3A_385, %dma_start3A_386] : memref<26x32x3125x32xf32, #tpu.memory_space<hbm>> -> memref<1x1x3125x32xf32, #tpu.memory_space<hbm>>
      %dma_start3A_388 = tpu.memref_squeeze %dma_start3A_387 : memref<1x1x3125x32xf32, #tpu.memory_space<hbm>> -> memref<3125x32xf32, #tpu.memory_space<hbm>>
      %dma_start3A_389 = arith.constant 0 : i32
      %dma_start3A_390 = arith.constant 0 : i32
      %dma_start3A_391 = tpu.memref_slice %dma_start3A_388[%dma_start3A_389, %dma_start3A_390] : memref<3125x32xf32, #tpu.memory_space<hbm>> -> memref<3125x32xf32, #tpu.memory_space<hbm>>
      tpu.enqueue_indirect_dma source(%dma_start3A_391 : memref<3125x32xf32, #tpu.memory_space<hbm>>) target(%dma_start3A_381 : memref<125x32xf32, #tpu.memory_space<vmem>>) offsets(%dma_start3A_384 : memref<125xi32, #tpu.memory_space<vmem>>) semaphore(%arg12 : memref<!tpu.dma_semaphore, #tpu.memory_space<semaphore_mem>>)
      %dma_start3A_392 = arith.constant 0 : i32
      %dma_start3A_393 = arith.constant 0 : i32
      %dma_start3A_394 = arith.constant 0 : i32
      %dma_start3A_395 = arith.constant 0 : i32
      %dma_start3A_396 = tpu.memref_slice %arg7[%dma_start3A_393, %dma_start3A_394, %dma_start3A_395] : memref<2x20x512xi32, #tpu.memory_space<vmem>> -> memref<1x20x512xi32, #tpu.memory_space<vmem>>
      %dma_start3A_397 = tpu.memref_squeeze %dma_start3A_396 : memref<1x20x512xi32, #tpu.memory_space<vmem>> -> memref<20x512xi32, #tpu.memory_space<vmem>>
      %dma_start3A_398 = arith.constant 0 : i32
      %dma_start3A_399 = arith.constant 0 : i32
      %dma_start3A_400 = tpu.memref_slice %arg2[%select_n3A, %dma_start3A_392, %dma_start3A_398, %dma_start3A_399] : memref<26x8x20x512xi32, #tpu.memory_space<hbm>> -> memref<1x1x20x512xi32, #tpu.memory_space<hbm>>
      %dma_start3A_401 = tpu.memref_squeeze %dma_start3A_400 : memref<1x1x20x512xi32, #tpu.memory_space<hbm>> -> memref<20x512xi32, #tpu.memory_space<hbm>>
      %dma_start3A_402 = arith.constant 0 : i32
      %dma_start3A_403 = arith.constant 0 : i32
      %dma_start3A_404 = tpu.memref_slice %arg7[%dma_start3A_393, %dma_start3A_402, %dma_start3A_403] : memref<2x20x512xi32, #tpu.memory_space<vmem>> -> memref<1x20x512xi32, #tpu.memory_space<vmem>>
      %dma_start3A_405 = tpu.memref_squeeze %dma_start3A_404 : memref<1x20x512xi32, #tpu.memory_space<vmem>> -> memref<20x512xi32, #tpu.memory_space<vmem>>
      %dma_start3A_406 = arith.constant 0 : i32
      %dma_start3A_407 = arith.constant 0 : i32
      %dma_start3A_408 = tpu.memref_slice %arg2[%select_n3A, %dma_start3A_392, %dma_start3A_406, %dma_start3A_407] : memref<26x8x20x512xi32, #tpu.memory_space<hbm>> -> memref<1x1x20x512xi32, #tpu.memory_space<hbm>>
      %dma_start3A_409 = tpu.memref_squeeze %dma_start3A_408 : memref<1x1x20x512xi32, #tpu.memory_space<hbm>> -> memref<20x512xi32, #tpu.memory_space<hbm>>
      tpu.enqueue_dma source(%dma_start3A_409 : memref<20x512xi32, #tpu.memory_space<hbm>>) target(%dma_start3A_405 : memref<20x512xi32, #tpu.memory_space<vmem>>) target_semaphore(%arg10 : memref<!tpu.dma_semaphore, #tpu.memory_space<semaphore_mem>>)
      %dma_wait3A = arith.constant 0 : i32
      %dma_wait3A_410 = arith.constant 0 : i32
      %dma_wait3A_411 = arith.constant 0 : i32
      %dma_wait3A_412 = arith.constant 0 : i32
      %dma_wait3A_413 = tpu.memref_slice %arg3[%dma_wait3A, %dma_wait3A_410, %dma_wait3A_411, %dma_wait3A_412] : memref<26x32x3125x32xf32, #tpu.memory_space<hbm>> -> memref<1x1x3125x32xf32, #tpu.memory_space<hbm>>
      %dma_wait3A_414 = tpu.memref_squeeze %dma_wait3A_413 : memref<1x1x3125x32xf32, #tpu.memory_space<hbm>> -> memref<3125x32xf32, #tpu.memory_space<hbm>>
      %dma_wait3A_415 = arith.constant 0 : i32
      %dma_wait3A_416 = arith.constant 0 : i32
      %dma_wait3A_417 = tpu.memref_slice %arg3[%dma_wait3A, %dma_wait3A_410, %dma_wait3A_415, %dma_wait3A_416] : memref<26x32x3125x32xf32, #tpu.memory_space<hbm>> -> memref<1x1x3125x32xf32, #tpu.memory_space<hbm>>
      %dma_wait3A_418 = tpu.memref_squeeze %dma_wait3A_417 : memref<1x1x3125x32xf32, #tpu.memory_space<hbm>> -> memref<3125x32xf32, #tpu.memory_space<hbm>>
      tpu.wait_dma2 semaphore(%arg12 : memref<!tpu.dma_semaphore, #tpu.memory_space<semaphore_mem>>) src(%dma_wait3A_418 : memref<3125x32xf32, #tpu.memory_space<hbm>>) dst(%arg6 : memref<3125x32xf32, #tpu.memory_space<vmem>>)
      %scan3A_419 = arith.constant 0 : i32
      %scan3A_420 = arith.constant 4 : i32
      %scan3A_421 = arith.addi %scan3A_419, %scan3A_420 : i32
      %scan3A_422 = arith.constant 1 : i32
      scf.for %scan3A_424 = %scan3A_419 to %scan3A_421 step %scan3A_422  : i32 {
        %mul3A_425 = arith.constant 2 : i32
        %mul3A_426 = arith.muli %scan3A_424, %mul3A_425 : i32
        %add3A_427 = arith.constant 0 : i32
        %add3A_428 = arith.addi %add3A_427, %mul3A_426 : i32
        %add3A_429 = arith.constant 1 : i32
        %add3A_430 = arith.addi %add3A_428, %add3A_429 : i32
        %dma_start3A_431 = arith.constant 1 : i32
        %dma_start3A_432 = arith.constant 0 : i32
        %dma_start3A_433 = arith.constant 0 : i32
        %dma_start3A_434 = tpu.memref_slice %arg7[%dma_start3A_431, %dma_start3A_432, %dma_start3A_433] : memref<2x20x512xi32, #tpu.memory_space<vmem>> -> memref<1x20x512xi32, #tpu.memory_space<vmem>>
        %dma_start3A_435 = tpu.memref_squeeze %dma_start3A_434 : memref<1x20x512xi32, #tpu.memory_space<vmem>> -> memref<20x512xi32, #tpu.memory_space<vmem>>
        %dma_start3A_436 = arith.constant 0 : i32
        %dma_start3A_437 = arith.constant 0 : i32
        %dma_start3A_438 = tpu.memref_slice %arg2[%select_n3A, %add3A_430, %dma_start3A_436, %dma_start3A_437] : memref<26x8x20x512xi32, #tpu.memory_space<hbm>> -> memref<1x1x20x512xi32, #tpu.memory_space<hbm>>
        %dma_start3A_439 = tpu.memref_squeeze %dma_start3A_438 : memref<1x1x20x512xi32, #tpu.memory_space<hbm>> -> memref<20x512xi32, #tpu.memory_space<hbm>>
        %dma_start3A_440 = arith.constant 0 : i32
        %dma_start3A_441 = arith.constant 0 : i32
        %dma_start3A_442 = tpu.memref_slice %arg7[%dma_start3A_431, %dma_start3A_440, %dma_start3A_441] : memref<2x20x512xi32, #tpu.memory_space<vmem>> -> memref<1x20x512xi32, #tpu.memory_space<vmem>>
        %dma_start3A_443 = tpu.memref_squeeze %dma_start3A_442 : memref<1x20x512xi32, #tpu.memory_space<vmem>> -> memref<20x512xi32, #tpu.memory_space<vmem>>
        %dma_start3A_444 = arith.constant 0 : i32
        %dma_start3A_445 = arith.constant 0 : i32
        %dma_start3A_446 = tpu.memref_slice %arg2[%select_n3A, %add3A_430, %dma_start3A_444, %dma_start3A_445] : memref<26x8x20x512xi32, #tpu.memory_space<hbm>> -> memref<1x1x20x512xi32, #tpu.memory_space<hbm>>
        %dma_start3A_447 = tpu.memref_squeeze %dma_start3A_446 : memref<1x1x20x512xi32, #tpu.memory_space<hbm>> -> memref<20x512xi32, #tpu.memory_space<hbm>>
        tpu.enqueue_dma source(%dma_start3A_447 : memref<20x512xi32, #tpu.memory_space<hbm>>) target(%dma_start3A_443 : memref<20x512xi32, #tpu.memory_space<vmem>>) target_semaphore(%arg11 : memref<!tpu.dma_semaphore, #tpu.memory_space<semaphore_mem>>)
        %dma_wait3A_448 = arith.constant 0 : i32
        %dma_wait3A_449 = arith.constant 0 : i32
        %dma_wait3A_450 = arith.constant 0 : i32
        %dma_wait3A_451 = arith.constant 0 : i32
        %dma_wait3A_452 = arith.constant 0 : i32
        %dma_wait3A_453 = tpu.memref_slice %arg7[%dma_wait3A_450, %dma_wait3A_451, %dma_wait3A_452] : memref<2x20x512xi32, #tpu.memory_space<vmem>> -> memref<1x20x512xi32, #tpu.memory_space<vmem>>
        %dma_wait3A_454 = tpu.memref_squeeze %dma_wait3A_453 : memref<1x20x512xi32, #tpu.memory_space<vmem>> -> memref<20x512xi32, #tpu.memory_space<vmem>>
        %dma_wait3A_455 = arith.constant 0 : i32
        %dma_wait3A_456 = arith.constant 0 : i32
        %dma_wait3A_457 = tpu.memref_slice %arg2[%dma_wait3A_448, %dma_wait3A_449, %dma_wait3A_455, %dma_wait3A_456] : memref<26x8x20x512xi32, #tpu.memory_space<hbm>> -> memref<1x1x20x512xi32, #tpu.memory_space<hbm>>
        %dma_wait3A_458 = tpu.memref_squeeze %dma_wait3A_457 : memref<1x1x20x512xi32, #tpu.memory_space<hbm>> -> memref<20x512xi32, #tpu.memory_space<hbm>>
        %dma_wait3A_459 = arith.constant 0 : i32
        %dma_wait3A_460 = arith.constant 0 : i32
        %dma_wait3A_461 = tpu.memref_slice %arg7[%dma_wait3A_450, %dma_wait3A_459, %dma_wait3A_460] : memref<2x20x512xi32, #tpu.memory_space<vmem>> -> memref<1x20x512xi32, #tpu.memory_space<vmem>>
        %dma_wait3A_462 = tpu.memref_squeeze %dma_wait3A_461 : memref<1x20x512xi32, #tpu.memory_space<vmem>> -> memref<20x512xi32, #tpu.memory_space<vmem>>
        %dma_wait3A_463 = arith.constant 0 : i32
        %dma_wait3A_464 = arith.constant 0 : i32
        %dma_wait3A_465 = tpu.memref_slice %arg2[%dma_wait3A_448, %dma_wait3A_449, %dma_wait3A_463, %dma_wait3A_464] : memref<26x8x20x512xi32, #tpu.memory_space<hbm>> -> memref<1x1x20x512xi32, #tpu.memory_space<hbm>>
        %dma_wait3A_466 = tpu.memref_squeeze %dma_wait3A_465 : memref<1x1x20x512xi32, #tpu.memory_space<hbm>> -> memref<20x512xi32, #tpu.memory_space<hbm>>
        tpu.wait_dma2 semaphore(%arg10 : memref<!tpu.dma_semaphore, #tpu.memory_space<semaphore_mem>>) src(%dma_wait3A_466 : memref<20x512xi32, #tpu.memory_space<hbm>>) dst(%dma_wait3A_462 : memref<20x512xi32, #tpu.memory_space<vmem>>)
        %scan3A_467 = arith.constant 0 : i32
        %scan3A_468 = arith.constant 32 : i32
        %scan3A_469 = arith.addi %scan3A_467, %scan3A_468 : i32
        %scan3A_470 = arith.constant 1 : i32
        scf.for %scan3A_503 = %scan3A_467 to %scan3A_469 step %scan3A_470  : i32 {
          %mul3A_504 = arith.constant 16 : i32
          %mul3A_505 = arith.muli %scan3A_503, %mul3A_504 : i32
          %add3A_506 = arith.constant 0 : i32
          %add3A_507 = arith.addi %add3A_506, %mul3A_505 : i32
          %get3A = arith.constant 0 : i32
          %get3A_508 = arith.constant 0 : i32
          %get3A_509 = arith.index_cast %get3A : i32 to index
          %get3A_510 = arith.index_cast %get3A_508 : i32 to index
          %get3A_511 = arith.index_cast %add3A_507 : i32 to index
          %get3A_512 = tpu.vector_load %arg7[%get3A_509, %get3A_510, %get3A_511] {strides = array<i32>} : memref<2x20x512xi32, #tpu.memory_space<vmem>>, vector<16xi32>,
          %shift_right_logical3A = arith.constant 5 : i32
          %shift_right_logical3A_513 = vector.broadcast %shift_right_logical3A : i32 to vector<16xi32>
          %shift_right_logical3A_514 = arith.shrui %get3A_512, %shift_right_logical3A_513 : vector<16xi32>
          %and3A_515 = arith.constant 31 : i32
          %and3A_516 = vector.broadcast %and3A_515 : i32 to vector<16xi32>
          %and3A_517 = arith.andi %get3A_512, %and3A_516 : vector<16xi32>
          %gather3A = tpu.vector_load_idx %arg6[%shift_right_logical3A_514, %and3A_517] : memref<3125x32xf32, #tpu.memory_space<vmem>>[vector<16xi32>, vector<16xi32>], vector<16xf32>,
          %get3A_518 = arith.constant 0 : i32
          %get3A_519 = arith.constant 1 : i32
          %get3A_520 = arith.index_cast %get3A_518 : i32 to index
          %get3A_521 = arith.index_cast %get3A_519 : i32 to index
          %get3A_522 = arith.index_cast %add3A_507 : i32 to index
          %get3A_523 = tpu.vector_load %arg7[%get3A_520, %get3A_521, %get3A_522] {strides = array<i32>} : memref<2x20x512xi32, #tpu.memory_space<vmem>>, vector<16xi32>,
          %shift_right_logical3A_524 = arith.constant 5 : i32
          %shift_right_logical3A_525 = vector.broadcast %shift_right_logical3A_524 : i32 to vector<16xi32>
          %shift_right_logical3A_526 = arith.shrui %get3A_523, %shift_right_logical3A_525 : vector<16xi32>
          %and3A_527 = arith.constant 31 : i32
          %and3A_528 = vector.broadcast %and3A_527 : i32 to vector<16xi32>
          %and3A_529 = arith.andi %get3A_523, %and3A_528 : vector<16xi32>
          %gather3A_530 = tpu.vector_load_idx %arg6[%shift_right_logical3A_526, %and3A_529] : memref<3125x32xf32, #tpu.memory_space<vmem>>[vector<16xi32>, vector<16xi32>], vector<16xf32>,
          %get3A_531 = arith.constant 0 : i32
          %get3A_532 = arith.constant 2 : i32
          %get3A_533 = arith.index_cast %get3A_531 : i32 to index
          %get3A_534 = arith.index_cast %get3A_532 : i32 to index
          %get3A_535 = arith.index_cast %add3A_507 : i32 to index
          %get3A_536 = tpu.vector_load %arg7[%get3A_533, %get3A_534, %get3A_535] {strides = array<i32>} : memref<2x20x512xi32, #tpu.memory_space<vmem>>, vector<16xi32>,
          %shift_right_logical3A_537 = arith.constant 5 : i32
          %shift_right_logical3A_538 = vector.broadcast %shift_right_logical3A_537 : i32 to vector<16xi32>
          %shift_right_logical3A_539 = arith.shrui %get3A_536, %shift_right_logical3A_538 : vector<16xi32>
          %and3A_540 = arith.constant 31 : i32
          %and3A_541 = vector.broadcast %and3A_540 : i32 to vector<16xi32>
          %and3A_542 = arith.andi %get3A_536, %and3A_541 : vector<16xi32>
          %gather3A_543 = tpu.vector_load_idx %arg6[%shift_right_logical3A_539, %and3A_542] : memref<3125x32xf32, #tpu.memory_space<vmem>>[vector<16xi32>, vector<16xi32>], vector<16xf32>,
          %get3A_544 = arith.constant 0 : i32
          %get3A_545 = arith.constant 3 : i32
          %get3A_546 = arith.index_cast %get3A_544 : i32 to index
          %get3A_547 = arith.index_cast %get3A_545 : i32 to index
          %get3A_548 = arith.index_cast %add3A_507 : i32 to index
          %get3A_549 = tpu.vector_load %arg7[%get3A_546, %get3A_547, %get3A_548] {strides = array<i32>} : memref<2x20x512xi32, #tpu.memory_space<vmem>>, vector<16xi32>,
          %shift_right_logical3A_550 = arith.constant 5 : i32
          %shift_right_logical3A_551 = vector.broadcast %shift_right_logical3A_550 : i32 to vector<16xi32>
          %shift_right_logical3A_552 = arith.shrui %get3A_549, %shift_right_logical3A_551 : vector<16xi32>
          %and3A_553 = arith.constant 31 : i32
          %and3A_554 = vector.broadcast %and3A_553 : i32 to vector<16xi32>
          %and3A_555 = arith.andi %get3A_549, %and3A_554 : vector<16xi32>
          %gather3A_556 = tpu.vector_load_idx %arg6[%shift_right_logical3A_552, %and3A_555] : memref<3125x32xf32, #tpu.memory_space<vmem>>[vector<16xi32>, vector<16xi32>], vector<16xf32>,
          %get3A_557 = arith.constant 0 : i32
          %get3A_558 = arith.constant 4 : i32
          %get3A_559 = arith.index_cast %get3A_557 : i32 to index
          %get3A_560 = arith.index_cast %get3A_558 : i32 to index
          %get3A_561 = arith.index_cast %add3A_507 : i32 to index
          %get3A_562 = tpu.vector_load %arg7[%get3A_559, %get3A_560, %get3A_561] {strides = array<i32>} : memref<2x20x512xi32, #tpu.memory_space<vmem>>, vector<16xi32>,
          %shift_right_logical3A_563 = arith.constant 5 : i32
          %shift_right_logical3A_564 = vector.broadcast %shift_right_logical3A_563 : i32 to vector<16xi32>
          %shift_right_logical3A_565 = arith.shrui %get3A_562, %shift_right_logical3A_564 : vector<16xi32>
          %and3A_566 = arith.constant 31 : i32
          %and3A_567 = vector.broadcast %and3A_566 : i32 to vector<16xi32>
          %and3A_568 = arith.andi %get3A_562, %and3A_567 : vector<16xi32>
          %gather3A_569 = tpu.vector_load_idx %arg6[%shift_right_logical3A_565, %and3A_568] : memref<3125x32xf32, #tpu.memory_space<vmem>>[vector<16xi32>, vector<16xi32>], vector<16xf32>,
          %get3A_570 = arith.constant 0 : i32
          %get3A_571 = arith.constant 5 : i32
          %get3A_572 = arith.index_cast %get3A_570 : i32 to index
          %get3A_573 = arith.index_cast %get3A_571 : i32 to index
          %get3A_574 = arith.index_cast %add3A_507 : i32 to index
          %get3A_575 = tpu.vector_load %arg7[%get3A_572, %get3A_573, %get3A_574] {strides = array<i32>} : memref<2x20x512xi32, #tpu.memory_space<vmem>>, vector<16xi32>,
          %shift_right_logical3A_576 = arith.constant 5 : i32
          %shift_right_logical3A_577 = vector.broadcast %shift_right_logical3A_576 : i32 to vector<16xi32>
          %shift_right_logical3A_578 = arith.shrui %get3A_575, %shift_right_logical3A_577 : vector<16xi32>
          %and3A_579 = arith.constant 31 : i32
          %and3A_580 = vector.broadcast %and3A_579 : i32 to vector<16xi32>
          %and3A_581 = arith.andi %get3A_575, %and3A_580 : vector<16xi32>
          %gather3A_582 = tpu.vector_load_idx %arg6[%shift_right_logical3A_578, %and3A_581] : memref<3125x32xf32, #tpu.memory_space<vmem>>[vector<16xi32>, vector<16xi32>], vector<16xf32>,
          %get3A_583 = arith.constant 0 : i32
          %get3A_584 = arith.constant 6 : i32
          %get3A_585 = arith.index_cast %get3A_583 : i32 to index
          %get3A_586 = arith.index_cast %get3A_584 : i32 to index
          %get3A_587 = arith.index_cast %add3A_507 : i32 to index
          %get3A_588 = tpu.vector_load %arg7[%get3A_585, %get3A_586, %get3A_587] {strides = array<i32>} : memref<2x20x512xi32, #tpu.memory_space<vmem>>, vector<16xi32>,
          %shift_right_logical3A_589 = arith.constant 5 : i32
          %shift_right_logical3A_590 = vector.broadcast %shift_right_logical3A_589 : i32 to vector<16xi32>
          %shift_right_logical3A_591 = arith.shrui %get3A_588, %shift_right_logical3A_590 : vector<16xi32>
          %and3A_592 = arith.constant 31 : i32
          %and3A_593 = vector.broadcast %and3A_592 : i32 to vector<16xi32>
          %and3A_594 = arith.andi %get3A_588, %and3A_593 : vector<16xi32>
          %gather3A_595 = tpu.vector_load_idx %arg6[%shift_right_logical3A_591, %and3A_594] : memref<3125x32xf32, #tpu.memory_space<vmem>>[vector<16xi32>, vector<16xi32>], vector<16xf32>,
          %get3A_596 = arith.constant 0 : i32
          %get3A_597 = arith.constant 7 : i32
          %get3A_598 = arith.index_cast %get3A_596 : i32 to index
          %get3A_599 = arith.index_cast %get3A_597 : i32 to index
          %get3A_600 = arith.index_cast %add3A_507 : i32 to index
          %get3A_601 = tpu.vector_load %arg7[%get3A_598, %get3A_599, %get3A_600] {strides = array<i32>} : memref<2x20x512xi32, #tpu.memory_space<vmem>>, vector<16xi32>,
          %shift_right_logical3A_602 = arith.constant 5 : i32
          %shift_right_logical3A_603 = vector.broadcast %shift_right_logical3A_602 : i32 to vector<16xi32>
          %shift_right_logical3A_604 = arith.shrui %get3A_601, %shift_right_logical3A_603 : vector<16xi32>
          %and3A_605 = arith.constant 31 : i32
          %and3A_606 = vector.broadcast %and3A_605 : i32 to vector<16xi32>
          %and3A_607 = arith.andi %get3A_601, %and3A_606 : vector<16xi32>
          %gather3A_608 = tpu.vector_load_idx %arg6[%shift_right_logical3A_604, %and3A_607] : memref<3125x32xf32, #tpu.memory_space<vmem>>[vector<16xi32>, vector<16xi32>], vector<16xf32>,
          %get3A_609 = arith.constant 0 : i32
          %get3A_610 = arith.constant 8 : i32
          %get3A_611 = arith.index_cast %get3A_609 : i32 to index
          %get3A_612 = arith.index_cast %get3A_610 : i32 to index
          %get3A_613 = arith.index_cast %add3A_507 : i32 to index
          %get3A_614 = tpu.vector_load %arg7[%get3A_611, %get3A_612, %get3A_613] {strides = array<i32>} : memref<2x20x512xi32, #tpu.memory_space<vmem>>, vector<16xi32>,
          %shift_right_logical3A_615 = arith.constant 5 : i32
          %shift_right_logical3A_616 = vector.broadcast %shift_right_logical3A_615 : i32 to vector<16xi32>
          %shift_right_logical3A_617 = arith.shrui %get3A_614, %shift_right_logical3A_616 : vector<16xi32>
          %and3A_618 = arith.constant 31 : i32
          %and3A_619 = vector.broadcast %and3A_618 : i32 to vector<16xi32>
          %and3A_620 = arith.andi %get3A_614, %and3A_619 : vector<16xi32>
          %gather3A_621 = tpu.vector_load_idx %arg6[%shift_right_logical3A_617, %and3A_620] : memref<3125x32xf32, #tpu.memory_space<vmem>>[vector<16xi32>, vector<16xi32>], vector<16xf32>,
          %get3A_622 = arith.constant 0 : i32
          %get3A_623 = arith.constant 9 : i32
          %get3A_624 = arith.index_cast %get3A_622 : i32 to index
          %get3A_625 = arith.index_cast %get3A_623 : i32 to index
          %get3A_626 = arith.index_cast %add3A_507 : i32 to index
          %get3A_627 = tpu.vector_load %arg7[%get3A_624, %get3A_625, %get3A_626] {strides = array<i32>} : memref<2x20x512xi32, #tpu.memory_space<vmem>>, vector<16xi32>,
          %shift_right_logical3A_628 = arith.constant 5 : i32
          %shift_right_logical3A_629 = vector.broadcast %shift_right_logical3A_628 : i32 to vector<16xi32>
          %shift_right_logical3A_630 = arith.shrui %get3A_627, %shift_right_logical3A_629 : vector<16xi32>
          %and3A_631 = arith.constant 31 : i32
          %and3A_632 = vector.broadcast %and3A_631 : i32 to vector<16xi32>
          %and3A_633 = arith.andi %get3A_627, %and3A_632 : vector<16xi32>
          %gather3A_634 = tpu.vector_load_idx %arg6[%shift_right_logical3A_630, %and3A_633] : memref<3125x32xf32, #tpu.memory_space<vmem>>[vector<16xi32>, vector<16xi32>], vector<16xf32>,
          %get3A_635 = arith.constant 0 : i32
          %get3A_636 = arith.constant 10 : i32
          %get3A_637 = arith.index_cast %get3A_635 : i32 to index
          %get3A_638 = arith.index_cast %get3A_636 : i32 to index
          %get3A_639 = arith.index_cast %add3A_507 : i32 to index
          %get3A_640 = tpu.vector_load %arg7[%get3A_637, %get3A_638, %get3A_639] {strides = array<i32>} : memref<2x20x512xi32, #tpu.memory_space<vmem>>, vector<16xi32>,
          %shift_right_logical3A_641 = arith.constant 5 : i32
          %shift_right_logical3A_642 = vector.broadcast %shift_right_logical3A_641 : i32 to vector<16xi32>
          %shift_right_logical3A_643 = arith.shrui %get3A_640, %shift_right_logical3A_642 : vector<16xi32>
          %and3A_644 = arith.constant 31 : i32
          %and3A_645 = vector.broadcast %and3A_644 : i32 to vector<16xi32>
          %and3A_646 = arith.andi %get3A_640, %and3A_645 : vector<16xi32>
          %gather3A_647 = tpu.vector_load_idx %arg6[%shift_right_logical3A_643, %and3A_646] : memref<3125x32xf32, #tpu.memory_space<vmem>>[vector<16xi32>, vector<16xi32>], vector<16xf32>,
          %get3A_648 = arith.constant 0 : i32
          %get3A_649 = arith.constant 11 : i32
          %get3A_650 = arith.index_cast %get3A_648 : i32 to index
          %get3A_651 = arith.index_cast %get3A_649 : i32 to index
          %get3A_652 = arith.index_cast %add3A_507 : i32 to index
          %get3A_653 = tpu.vector_load %arg7[%get3A_650, %get3A_651, %get3A_652] {strides = array<i32>} : memref<2x20x512xi32, #tpu.memory_space<vmem>>, vector<16xi32>,
          %shift_right_logical3A_654 = arith.constant 5 : i32
          %shift_right_logical3A_655 = vector.broadcast %shift_right_logical3A_654 : i32 to vector<16xi32>
          %shift_right_logical3A_656 = arith.shrui %get3A_653, %shift_right_logical3A_655 : vector<16xi32>
          %and3A_657 = arith.constant 31 : i32
          %and3A_658 = vector.broadcast %and3A_657 : i32 to vector<16xi32>
          %and3A_659 = arith.andi %get3A_653, %and3A_658 : vector<16xi32>
          %gather3A_660 = tpu.vector_load_idx %arg6[%shift_right_logical3A_656, %and3A_659] : memref<3125x32xf32, #tpu.memory_space<vmem>>[vector<16xi32>, vector<16xi32>], vector<16xf32>,
          %get3A_661 = arith.constant 0 : i32
          %get3A_662 = arith.constant 12 : i32
          %get3A_663 = arith.index_cast %get3A_661 : i32 to index
          %get3A_664 = arith.index_cast %get3A_662 : i32 to index
          %get3A_665 = arith.index_cast %add3A_507 : i32 to index
          %get3A_666 = tpu.vector_load %arg7[%get3A_663, %get3A_664, %get3A_665] {strides = array<i32>} : memref<2x20x512xi32, #tpu.memory_space<vmem>>, vector<16xi32>,
          %shift_right_logical3A_667 = arith.constant 5 : i32
          %shift_right_logical3A_668 = vector.broadcast %shift_right_logical3A_667 : i32 to vector<16xi32>
          %shift_right_logical3A_669 = arith.shrui %get3A_666, %shift_right_logical3A_668 : vector<16xi32>
          %and3A_670 = arith.constant 31 : i32
          %and3A_671 = vector.broadcast %and3A_670 : i32 to vector<16xi32>
          %and3A_672 = arith.andi %get3A_666, %and3A_671 : vector<16xi32>
          %gather3A_673 = tpu.vector_load_idx %arg6[%shift_right_logical3A_669, %and3A_672] : memref<3125x32xf32, #tpu.memory_space<vmem>>[vector<16xi32>, vector<16xi32>], vector<16xf32>,
          %get3A_674 = arith.constant 0 : i32
          %get3A_675 = arith.constant 13 : i32
          %get3A_676 = arith.index_cast %get3A_674 : i32 to index
          %get3A_677 = arith.index_cast %get3A_675 : i32 to index
          %get3A_678 = arith.index_cast %add3A_507 : i32 to index
          %get3A_679 = tpu.vector_load %arg7[%get3A_676, %get3A_677, %get3A_678] {strides = array<i32>} : memref<2x20x512xi32, #tpu.memory_space<vmem>>, vector<16xi32>,
          %shift_right_logical3A_680 = arith.constant 5 : i32
          %shift_right_logical3A_681 = vector.broadcast %shift_right_logical3A_680 : i32 to vector<16xi32>
          %shift_right_logical3A_682 = arith.shrui %get3A_679, %shift_right_logical3A_681 : vector<16xi32>
          %and3A_683 = arith.constant 31 : i32
          %and3A_684 = vector.broadcast %and3A_683 : i32 to vector<16xi32>
          %and3A_685 = arith.andi %get3A_679, %and3A_684 : vector<16xi32>
          %gather3A_686 = tpu.vector_load_idx %arg6[%shift_right_logical3A_682, %and3A_685] : memref<3125x32xf32, #tpu.memory_space<vmem>>[vector<16xi32>, vector<16xi32>], vector<16xf32>,
          %get3A_687 = arith.constant 0 : i32
          %get3A_688 = arith.constant 14 : i32
          %get3A_689 = arith.index_cast %get3A_687 : i32 to index
          %get3A_690 = arith.index_cast %get3A_688 : i32 to index
          %get3A_691 = arith.index_cast %add3A_507 : i32 to index
          %get3A_692 = tpu.vector_load %arg7[%get3A_689, %get3A_690, %get3A_691] {strides = array<i32>} : memref<2x20x512xi32, #tpu.memory_space<vmem>>, vector<16xi32>,
          %shift_right_logical3A_693 = arith.constant 5 : i32
          %shift_right_logical3A_694 = vector.broadcast %shift_right_logical3A_693 : i32 to vector<16xi32>
          %shift_right_logical3A_695 = arith.shrui %get3A_692, %shift_right_logical3A_694 : vector<16xi32>
          %and3A_696 = arith.constant 31 : i32
          %and3A_697 = vector.broadcast %and3A_696 : i32 to vector<16xi32>
          %and3A_698 = arith.andi %get3A_692, %and3A_697 : vector<16xi32>
          %gather3A_699 = tpu.vector_load_idx %arg6[%shift_right_logical3A_695, %and3A_698] : memref<3125x32xf32, #tpu.memory_space<vmem>>[vector<16xi32>, vector<16xi32>], vector<16xf32>,
          %get3A_700 = arith.constant 0 : i32
          %get3A_701 = arith.constant 15 : i32
          %get3A_702 = arith.index_cast %get3A_700 : i32 to index
          %get3A_703 = arith.index_cast %get3A_701 : i32 to index
          %get3A_704 = arith.index_cast %add3A_507 : i32 to index
          %get3A_705 = tpu.vector_load %arg7[%get3A_702, %get3A_703, %get3A_704] {strides = array<i32>} : memref<2x20x512xi32, #tpu.memory_space<vmem>>, vector<16xi32>,
          %shift_right_logical3A_706 = arith.constant 5 : i32
          %shift_right_logical3A_707 = vector.broadcast %shift_right_logical3A_706 : i32 to vector<16xi32>
          %shift_right_logical3A_708 = arith.shrui %get3A_705, %shift_right_logical3A_707 : vector<16xi32>
          %and3A_709 = arith.constant 31 : i32
          %and3A_710 = vector.broadcast %and3A_709 : i32 to vector<16xi32>
          %and3A_711 = arith.andi %get3A_705, %and3A_710 : vector<16xi32>
          %gather3A_712 = tpu.vector_load_idx %arg6[%shift_right_logical3A_708, %and3A_711] : memref<3125x32xf32, #tpu.memory_space<vmem>>[vector<16xi32>, vector<16xi32>], vector<16xf32>,
          %get3A_713 = arith.constant 0 : i32
          %get3A_714 = arith.constant 16 : i32
          %get3A_715 = arith.index_cast %get3A_713 : i32 to index
          %get3A_716 = arith.index_cast %get3A_714 : i32 to index
          %get3A_717 = arith.index_cast %add3A_507 : i32 to index
          %get3A_718 = tpu.vector_load %arg7[%get3A_715, %get3A_716, %get3A_717] {strides = array<i32>} : memref<2x20x512xi32, #tpu.memory_space<vmem>>, vector<16xi32>,
          %shift_right_logical3A_719 = arith.constant 5 : i32
          %shift_right_logical3A_720 = vector.broadcast %shift_right_logical3A_719 : i32 to vector<16xi32>
          %shift_right_logical3A_721 = arith.shrui %get3A_718, %shift_right_logical3A_720 : vector<16xi32>
          %and3A_722 = arith.constant 31 : i32
          %and3A_723 = vector.broadcast %and3A_722 : i32 to vector<16xi32>
          %and3A_724 = arith.andi %get3A_718, %and3A_723 : vector<16xi32>
          %gather3A_725 = tpu.vector_load_idx %arg6[%shift_right_logical3A_721, %and3A_724] : memref<3125x32xf32, #tpu.memory_space<vmem>>[vector<16xi32>, vector<16xi32>], vector<16xf32>,
          %get3A_726 = arith.constant 0 : i32
          %get3A_727 = arith.constant 17 : i32
          %get3A_728 = arith.index_cast %get3A_726 : i32 to index
          %get3A_729 = arith.index_cast %get3A_727 : i32 to index
          %get3A_730 = arith.index_cast %add3A_507 : i32 to index
          %get3A_731 = tpu.vector_load %arg7[%get3A_728, %get3A_729, %get3A_730] {strides = array<i32>} : memref<2x20x512xi32, #tpu.memory_space<vmem>>, vector<16xi32>,
          %shift_right_logical3A_732 = arith.constant 5 : i32
          %shift_right_logical3A_733 = vector.broadcast %shift_right_logical3A_732 : i32 to vector<16xi32>
          %shift_right_logical3A_734 = arith.shrui %get3A_731, %shift_right_logical3A_733 : vector<16xi32>
          %and3A_735 = arith.constant 31 : i32
          %and3A_736 = vector.broadcast %and3A_735 : i32 to vector<16xi32>
          %and3A_737 = arith.andi %get3A_731, %and3A_736 : vector<16xi32>
          %gather3A_738 = tpu.vector_load_idx %arg6[%shift_right_logical3A_734, %and3A_737] : memref<3125x32xf32, #tpu.memory_space<vmem>>[vector<16xi32>, vector<16xi32>], vector<16xf32>,
          %get3A_739 = arith.constant 0 : i32
          %get3A_740 = arith.constant 18 : i32
          %get3A_741 = arith.index_cast %get3A_739 : i32 to index
          %get3A_742 = arith.index_cast %get3A_740 : i32 to index
          %get3A_743 = arith.index_cast %add3A_507 : i32 to index
          %get3A_744 = tpu.vector_load %arg7[%get3A_741, %get3A_742, %get3A_743] {strides = array<i32>} : memref<2x20x512xi32, #tpu.memory_space<vmem>>, vector<16xi32>,
          %shift_right_logical3A_745 = arith.constant 5 : i32
          %shift_right_logical3A_746 = vector.broadcast %shift_right_logical3A_745 : i32 to vector<16xi32>
          %shift_right_logical3A_747 = arith.shrui %get3A_744, %shift_right_logical3A_746 : vector<16xi32>
          %and3A_748 = arith.constant 31 : i32
          %and3A_749 = vector.broadcast %and3A_748 : i32 to vector<16xi32>
          %and3A_750 = arith.andi %get3A_744, %and3A_749 : vector<16xi32>
          %gather3A_751 = tpu.vector_load_idx %arg6[%shift_right_logical3A_747, %and3A_750] : memref<3125x32xf32, #tpu.memory_space<vmem>>[vector<16xi32>, vector<16xi32>], vector<16xf32>,
          %get3A_752 = arith.constant 0 : i32
          %get3A_753 = arith.constant 19 : i32
          %get3A_754 = arith.index_cast %get3A_752 : i32 to index
          %get3A_755 = arith.index_cast %get3A_753 : i32 to index
          %get3A_756 = arith.index_cast %add3A_507 : i32 to index
          %get3A_757 = tpu.vector_load %arg7[%get3A_754, %get3A_755, %get3A_756] {strides = array<i32>} : memref<2x20x512xi32, #tpu.memory_space<vmem>>, vector<16xi32>,
          %shift_right_logical3A_758 = arith.constant 5 : i32
          %shift_right_logical3A_759 = vector.broadcast %shift_right_logical3A_758 : i32 to vector<16xi32>
          %shift_right_logical3A_760 = arith.shrui %get3A_757, %shift_right_logical3A_759 : vector<16xi32>
          %and3A_761 = arith.constant 31 : i32
          %and3A_762 = vector.broadcast %and3A_761 : i32 to vector<16xi32>
          %and3A_763 = arith.andi %get3A_757, %and3A_762 : vector<16xi32>
          %gather3A_764 = tpu.vector_load_idx %arg6[%shift_right_logical3A_760, %and3A_763] : memref<3125x32xf32, #tpu.memory_space<vmem>>[vector<16xi32>, vector<16xi32>], vector<16xf32>,
          %add3A_765 = arith.addf %gather3A, %gather3A_530 : vector<16xf32>
          %add3A_766 = arith.addf %gather3A_543, %gather3A_556 : vector<16xf32>
          %add3A_767 = arith.addf %gather3A_569, %gather3A_582 : vector<16xf32>
          %add3A_768 = arith.addf %gather3A_595, %gather3A_608 : vector<16xf32>
          %add3A_769 = arith.addf %gather3A_621, %gather3A_634 : vector<16xf32>
          %add3A_770 = arith.addf %gather3A_647, %gather3A_660 : vector<16xf32>
          %add3A_771 = arith.addf %gather3A_673, %gather3A_686 : vector<16xf32>
          %add3A_772 = arith.addf %gather3A_699, %gather3A_712 : vector<16xf32>
          %add3A_773 = arith.addf %gather3A_725, %gather3A_738 : vector<16xf32>
          %add3A_774 = arith.addf %gather3A_751, %gather3A_764 : vector<16xf32>
          %add3A_775 = arith.addf %add3A_765, %add3A_766 : vector<16xf32>
          %add3A_776 = arith.addf %add3A_767, %add3A_768 : vector<16xf32>
          %add3A_777 = arith.addf %add3A_769, %add3A_770 : vector<16xf32>
          %add3A_778 = arith.addf %add3A_771, %add3A_772 : vector<16xf32>
          %add3A_779 = arith.addf %add3A_773, %add3A_774 : vector<16xf32>
          %add3A_780 = arith.addf %add3A_775, %add3A_776 : vector<16xf32>
          %add3A_781 = arith.addf %add3A_777, %add3A_778 : vector<16xf32>
          %add3A_782 = arith.addf %add3A_780, %add3A_781 : vector<16xf32>
          %add3A_783 = arith.addf %add3A_782, %add3A_779 : vector<16xf32>
          %mul3A_784 = arith.constant 512 : i32
          %mul3A_785 = arith.muli %add3A_428, %mul3A_784 : i32
          %add3A_786 = arith.addi %mul3A_785, %add3A_507 : i32
          %swap3A = arith.index_cast %add3A_786 : i32 to index
          %swap3A_787 = tpu.vector_load %arg8[%swap3A] {strides = array<i32>} : memref<4096xf32, #tpu.memory_space<vmem>>, vector<16xf32>,
          tpu.vector_store %arg8[%swap3A], %add3A_783 {strides = array<i32>} : memref<4096xf32, #tpu.memory_space<vmem>>, vector<16xf32>,
        }
        %scan3A_471 = arith.constant 32 : i32
        %add3A_472 = arith.constant 2 : i32
        %add3A_473 = arith.addi %add3A_428, %add3A_472 : i32
        %lt3A_474 = arith.constant 8 : i32
        %lt3A_475 = arith.cmpi slt, %add3A_473, %lt3A_474 : i32
        %convert_element_type3A = arith.extui %lt3A_475 : i1 to i32
        %cond3A = arith.constant 0 : i32
        %cond3A_476 = arith.cmpi ne, %convert_element_type3A, %cond3A : i32
        scf.if %cond3A_476 {
          %add3A_503 = arith.constant 2 : i32
          %add3A_504 = arith.addi %add3A_428, %add3A_503 : i32
          %dma_start3A_505 = arith.constant 0 : i32
          %dma_start3A_506 = arith.constant 0 : i32
          %dma_start3A_507 = arith.constant 0 : i32
          %dma_start3A_508 = tpu.memref_slice %arg7[%dma_start3A_505, %dma_start3A_506, %dma_start3A_507] : memref<2x20x512xi32, #tpu.memory_space<vmem>> -> memref<1x20x512xi32, #tpu.memory_space<vmem>>
          %dma_start3A_509 = tpu.memref_squeeze %dma_start3A_508 : memref<1x20x512xi32, #tpu.memory_space<vmem>> -> memref<20x512xi32, #tpu.memory_space<vmem>>
          %dma_start3A_510 = arith.constant 0 : i32
          %dma_start3A_511 = arith.constant 0 : i32
          %dma_start3A_512 = tpu.memref_slice %arg2[%select_n3A, %add3A_504, %dma_start3A_510, %dma_start3A_511] : memref<26x8x20x512xi32, #tpu.memory_space<hbm>> -> memref<1x1x20x512xi32, #tpu.memory_space<hbm>>
          %dma_start3A_513 = tpu.memref_squeeze %dma_start3A_512 : memref<1x1x20x512xi32, #tpu.memory_space<hbm>> -> memref<20x512xi32, #tpu.memory_space<hbm>>
          %dma_start3A_514 = arith.constant 0 : i32
          %dma_start3A_515 = arith.constant 0 : i32
          %dma_start3A_516 = tpu.memref_slice %arg7[%dma_start3A_505, %dma_start3A_514, %dma_start3A_515] : memref<2x20x512xi32, #tpu.memory_space<vmem>> -> memref<1x20x512xi32, #tpu.memory_space<vmem>>
          %dma_start3A_517 = tpu.memref_squeeze %dma_start3A_516 : memref<1x20x512xi32, #tpu.memory_space<vmem>> -> memref<20x512xi32, #tpu.memory_space<vmem>>
          %dma_start3A_518 = arith.constant 0 : i32
          %dma_start3A_519 = arith.constant 0 : i32
          %dma_start3A_520 = tpu.memref_slice %arg2[%select_n3A, %add3A_504, %dma_start3A_518, %dma_start3A_519] : memref<26x8x20x512xi32, #tpu.memory_space<hbm>> -> memref<1x1x20x512xi32, #tpu.memory_space<hbm>>
          %dma_start3A_521 = tpu.memref_squeeze %dma_start3A_520 : memref<1x1x20x512xi32, #tpu.memory_space<hbm>> -> memref<20x512xi32, #tpu.memory_space<hbm>>
          tpu.enqueue_dma source(%dma_start3A_521 : memref<20x512xi32, #tpu.memory_space<hbm>>) target(%dma_start3A_517 : memref<20x512xi32, #tpu.memory_space<vmem>>) target_semaphore(%arg10 : memref<!tpu.dma_semaphore, #tpu.memory_space<semaphore_mem>>)
        } else {
        }
        %dma_wait3A_477 = arith.constant 0 : i32
        %dma_wait3A_478 = arith.constant 0 : i32
        %dma_wait3A_479 = arith.constant 1 : i32
        %dma_wait3A_480 = arith.constant 0 : i32
        %dma_wait3A_481 = arith.constant 0 : i32
        %dma_wait3A_482 = tpu.memref_slice %arg7[%dma_wait3A_479, %dma_wait3A_480, %dma_wait3A_481] : memref<2x20x512xi32, #tpu.memory_space<vmem>> -> memref<1x20x512xi32, #tpu.memory_space<vmem>>
        %dma_wait3A_483 = tpu.memref_squeeze %dma_wait3A_482 : memref<1x20x512xi32, #tpu.memory_space<vmem>> -> memref<20x512xi32, #tpu.memory_space<vmem>>
        %dma_wait3A_484 = arith.constant 0 : i32
        %dma_wait3A_485 = arith.constant 0 : i32
        %dma_wait3A_486 = tpu.memref_slice %arg2[%dma_wait3A_477, %dma_wait3A_478, %dma_wait3A_484, %dma_wait3A_485] : memref<26x8x20x512xi32, #tpu.memory_space<hbm>> -> memref<1x1x20x512xi32, #tpu.memory_space<hbm>>
        %dma_wait3A_487 = tpu.memref_squeeze %dma_wait3A_486 : memref<1x1x20x512xi32, #tpu.memory_space<hbm>> -> memref<20x512xi32, #tpu.memory_space<hbm>>
        %dma_wait3A_488 = arith.constant 0 : i32
        %dma_wait3A_489 = arith.constant 0 : i32
        %dma_wait3A_490 = tpu.memref_slice %arg7[%dma_wait3A_479, %dma_wait3A_488, %dma_wait3A_489] : memref<2x20x512xi32, #tpu.memory_space<vmem>> -> memref<1x20x512xi32, #tpu.memory_space<vmem>>
        %dma_wait3A_491 = tpu.memref_squeeze %dma_wait3A_490 : memref<1x20x512xi32, #tpu.memory_space<vmem>> -> memref<20x512xi32, #tpu.memory_space<vmem>>
        %dma_wait3A_492 = arith.constant 0 : i32
        %dma_wait3A_493 = arith.constant 0 : i32
        %dma_wait3A_494 = tpu.memref_slice %arg2[%dma_wait3A_477, %dma_wait3A_478, %dma_wait3A_492, %dma_wait3A_493] : memref<26x8x20x512xi32, #tpu.memory_space<hbm>> -> memref<1x1x20x512xi32, #tpu.memory_space<hbm>>
        %dma_wait3A_495 = tpu.memref_squeeze %dma_wait3A_494 : memref<1x1x20x512xi32, #tpu.memory_space<hbm>> -> memref<20x512xi32, #tpu.memory_space<hbm>>
        tpu.wait_dma2 semaphore(%arg11 : memref<!tpu.dma_semaphore, #tpu.memory_space<semaphore_mem>>) src(%dma_wait3A_495 : memref<20x512xi32, #tpu.memory_space<hbm>>) dst(%dma_wait3A_491 : memref<20x512xi32, #tpu.memory_space<vmem>>)
        %add3A_496 = arith.constant 1 : i32
        %add3A_497 = arith.addi %add3A_428, %add3A_496 : i32
        %scan3A_498 = arith.constant 0 : i32
        %scan3A_499 = arith.constant 32 : i32
        %scan3A_500 = arith.addi %scan3A_498, %scan3A_499 : i32
        %scan3A_501 = arith.constant 1 : i32
        scf.for %scan3A_503 = %scan3A_498 to %scan3A_500 step %scan3A_501  : i32 {
          %mul3A_504 = arith.constant 16 : i32
          %mul3A_505 = arith.muli %scan3A_503, %mul3A_504 : i32
          %add3A_506 = arith.constant 0 : i32
          %add3A_507 = arith.addi %add3A_506, %mul3A_505 : i32
          %get3A = arith.constant 1 : i32
          %get3A_508 = arith.constant 0 : i32
          %get3A_509 = arith.index_cast %get3A : i32 to index
          %get3A_510 = arith.index_cast %get3A_508 : i32 to index
          %get3A_511 = arith.index_cast %add3A_507 : i32 to index
          %get3A_512 = tpu.vector_load %arg7[%get3A_509, %get3A_510, %get3A_511] {strides = array<i32>} : memref<2x20x512xi32, #tpu.memory_space<vmem>>, vector<16xi32>,
          %shift_right_logical3A = arith.constant 5 : i32
          %shift_right_logical3A_513 = vector.broadcast %shift_right_logical3A : i32 to vector<16xi32>
          %shift_right_logical3A_514 = arith.shrui %get3A_512, %shift_right_logical3A_513 : vector<16xi32>
          %and3A_515 = arith.constant 31 : i32
          %and3A_516 = vector.broadcast %and3A_515 : i32 to vector<16xi32>
          %and3A_517 = arith.andi %get3A_512, %and3A_516 : vector<16xi32>
          %gather3A = tpu.vector_load_idx %arg6[%shift_right_logical3A_514, %and3A_517] : memref<3125x32xf32, #tpu.memory_space<vmem>>[vector<16xi32>, vector<16xi32>], vector<16xf32>,
          %get3A_518 = arith.constant 1 : i32
          %get3A_519 = arith.constant 1 : i32
          %get3A_520 = arith.index_cast %get3A_518 : i32 to index
          %get3A_521 = arith.index_cast %get3A_519 : i32 to index
          %get3A_522 = arith.index_cast %add3A_507 : i32 to index
          %get3A_523 = tpu.vector_load %arg7[%get3A_520, %get3A_521, %get3A_522] {strides = array<i32>} : memref<2x20x512xi32, #tpu.memory_space<vmem>>, vector<16xi32>,
          %shift_right_logical3A_524 = arith.constant 5 : i32
          %shift_right_logical3A_525 = vector.broadcast %shift_right_logical3A_524 : i32 to vector<16xi32>
          %shift_right_logical3A_526 = arith.shrui %get3A_523, %shift_right_logical3A_525 : vector<16xi32>
          %and3A_527 = arith.constant 31 : i32
          %and3A_528 = vector.broadcast %and3A_527 : i32 to vector<16xi32>
          %and3A_529 = arith.andi %get3A_523, %and3A_528 : vector<16xi32>
          %gather3A_530 = tpu.vector_load_idx %arg6[%shift_right_logical3A_526, %and3A_529] : memref<3125x32xf32, #tpu.memory_space<vmem>>[vector<16xi32>, vector<16xi32>], vector<16xf32>,
          %get3A_531 = arith.constant 1 : i32
          %get3A_532 = arith.constant 2 : i32
          %get3A_533 = arith.index_cast %get3A_531 : i32 to index
          %get3A_534 = arith.index_cast %get3A_532 : i32 to index
          %get3A_535 = arith.index_cast %add3A_507 : i32 to index
          %get3A_536 = tpu.vector_load %arg7[%get3A_533, %get3A_534, %get3A_535] {strides = array<i32>} : memref<2x20x512xi32, #tpu.memory_space<vmem>>, vector<16xi32>,
          %shift_right_logical3A_537 = arith.constant 5 : i32
          %shift_right_logical3A_538 = vector.broadcast %shift_right_logical3A_537 : i32 to vector<16xi32>
          %shift_right_logical3A_539 = arith.shrui %get3A_536, %shift_right_logical3A_538 : vector<16xi32>
          %and3A_540 = arith.constant 31 : i32
          %and3A_541 = vector.broadcast %and3A_540 : i32 to vector<16xi32>
          %and3A_542 = arith.andi %get3A_536, %and3A_541 : vector<16xi32>
          %gather3A_543 = tpu.vector_load_idx %arg6[%shift_right_logical3A_539, %and3A_542] : memref<3125x32xf32, #tpu.memory_space<vmem>>[vector<16xi32>, vector<16xi32>], vector<16xf32>,
          %get3A_544 = arith.constant 1 : i32
          %get3A_545 = arith.constant 3 : i32
          %get3A_546 = arith.index_cast %get3A_544 : i32 to index
          %get3A_547 = arith.index_cast %get3A_545 : i32 to index
          %get3A_548 = arith.index_cast %add3A_507 : i32 to index
          %get3A_549 = tpu.vector_load %arg7[%get3A_546, %get3A_547, %get3A_548] {strides = array<i32>} : memref<2x20x512xi32, #tpu.memory_space<vmem>>, vector<16xi32>,
          %shift_right_logical3A_550 = arith.constant 5 : i32
          %shift_right_logical3A_551 = vector.broadcast %shift_right_logical3A_550 : i32 to vector<16xi32>
          %shift_right_logical3A_552 = arith.shrui %get3A_549, %shift_right_logical3A_551 : vector<16xi32>
          %and3A_553 = arith.constant 31 : i32
          %and3A_554 = vector.broadcast %and3A_553 : i32 to vector<16xi32>
          %and3A_555 = arith.andi %get3A_549, %and3A_554 : vector<16xi32>
          %gather3A_556 = tpu.vector_load_idx %arg6[%shift_right_logical3A_552, %and3A_555] : memref<3125x32xf32, #tpu.memory_space<vmem>>[vector<16xi32>, vector<16xi32>], vector<16xf32>,
          %get3A_557 = arith.constant 1 : i32
          %get3A_558 = arith.constant 4 : i32
          %get3A_559 = arith.index_cast %get3A_557 : i32 to index
          %get3A_560 = arith.index_cast %get3A_558 : i32 to index
          %get3A_561 = arith.index_cast %add3A_507 : i32 to index
          %get3A_562 = tpu.vector_load %arg7[%get3A_559, %get3A_560, %get3A_561] {strides = array<i32>} : memref<2x20x512xi32, #tpu.memory_space<vmem>>, vector<16xi32>,
          %shift_right_logical3A_563 = arith.constant 5 : i32
          %shift_right_logical3A_564 = vector.broadcast %shift_right_logical3A_563 : i32 to vector<16xi32>
          %shift_right_logical3A_565 = arith.shrui %get3A_562, %shift_right_logical3A_564 : vector<16xi32>
          %and3A_566 = arith.constant 31 : i32
          %and3A_567 = vector.broadcast %and3A_566 : i32 to vector<16xi32>
          %and3A_568 = arith.andi %get3A_562, %and3A_567 : vector<16xi32>
          %gather3A_569 = tpu.vector_load_idx %arg6[%shift_right_logical3A_565, %and3A_568] : memref<3125x32xf32, #tpu.memory_space<vmem>>[vector<16xi32>, vector<16xi32>], vector<16xf32>,
          %get3A_570 = arith.constant 1 : i32
          %get3A_571 = arith.constant 5 : i32
          %get3A_572 = arith.index_cast %get3A_570 : i32 to index
          %get3A_573 = arith.index_cast %get3A_571 : i32 to index
          %get3A_574 = arith.index_cast %add3A_507 : i32 to index
          %get3A_575 = tpu.vector_load %arg7[%get3A_572, %get3A_573, %get3A_574] {strides = array<i32>} : memref<2x20x512xi32, #tpu.memory_space<vmem>>, vector<16xi32>,
          %shift_right_logical3A_576 = arith.constant 5 : i32
          %shift_right_logical3A_577 = vector.broadcast %shift_right_logical3A_576 : i32 to vector<16xi32>
          %shift_right_logical3A_578 = arith.shrui %get3A_575, %shift_right_logical3A_577 : vector<16xi32>
          %and3A_579 = arith.constant 31 : i32
          %and3A_580 = vector.broadcast %and3A_579 : i32 to vector<16xi32>
          %and3A_581 = arith.andi %get3A_575, %and3A_580 : vector<16xi32>
          %gather3A_582 = tpu.vector_load_idx %arg6[%shift_right_logical3A_578, %and3A_581] : memref<3125x32xf32, #tpu.memory_space<vmem>>[vector<16xi32>, vector<16xi32>], vector<16xf32>,
          %get3A_583 = arith.constant 1 : i32
          %get3A_584 = arith.constant 6 : i32
          %get3A_585 = arith.index_cast %get3A_583 : i32 to index
          %get3A_586 = arith.index_cast %get3A_584 : i32 to index
          %get3A_587 = arith.index_cast %add3A_507 : i32 to index
          %get3A_588 = tpu.vector_load %arg7[%get3A_585, %get3A_586, %get3A_587] {strides = array<i32>} : memref<2x20x512xi32, #tpu.memory_space<vmem>>, vector<16xi32>,
          %shift_right_logical3A_589 = arith.constant 5 : i32
          %shift_right_logical3A_590 = vector.broadcast %shift_right_logical3A_589 : i32 to vector<16xi32>
          %shift_right_logical3A_591 = arith.shrui %get3A_588, %shift_right_logical3A_590 : vector<16xi32>
          %and3A_592 = arith.constant 31 : i32
          %and3A_593 = vector.broadcast %and3A_592 : i32 to vector<16xi32>
          %and3A_594 = arith.andi %get3A_588, %and3A_593 : vector<16xi32>
          %gather3A_595 = tpu.vector_load_idx %arg6[%shift_right_logical3A_591, %and3A_594] : memref<3125x32xf32, #tpu.memory_space<vmem>>[vector<16xi32>, vector<16xi32>], vector<16xf32>,
          %get3A_596 = arith.constant 1 : i32
          %get3A_597 = arith.constant 7 : i32
          %get3A_598 = arith.index_cast %get3A_596 : i32 to index
          %get3A_599 = arith.index_cast %get3A_597 : i32 to index
          %get3A_600 = arith.index_cast %add3A_507 : i32 to index
          %get3A_601 = tpu.vector_load %arg7[%get3A_598, %get3A_599, %get3A_600] {strides = array<i32>} : memref<2x20x512xi32, #tpu.memory_space<vmem>>, vector<16xi32>,
          %shift_right_logical3A_602 = arith.constant 5 : i32
          %shift_right_logical3A_603 = vector.broadcast %shift_right_logical3A_602 : i32 to vector<16xi32>
          %shift_right_logical3A_604 = arith.shrui %get3A_601, %shift_right_logical3A_603 : vector<16xi32>
          %and3A_605 = arith.constant 31 : i32
          %and3A_606 = vector.broadcast %and3A_605 : i32 to vector<16xi32>
          %and3A_607 = arith.andi %get3A_601, %and3A_606 : vector<16xi32>
          %gather3A_608 = tpu.vector_load_idx %arg6[%shift_right_logical3A_604, %and3A_607] : memref<3125x32xf32, #tpu.memory_space<vmem>>[vector<16xi32>, vector<16xi32>], vector<16xf32>,
          %get3A_609 = arith.constant 1 : i32
          %get3A_610 = arith.constant 8 : i32
          %get3A_611 = arith.index_cast %get3A_609 : i32 to index
          %get3A_612 = arith.index_cast %get3A_610 : i32 to index
          %get3A_613 = arith.index_cast %add3A_507 : i32 to index
          %get3A_614 = tpu.vector_load %arg7[%get3A_611, %get3A_612, %get3A_613] {strides = array<i32>} : memref<2x20x512xi32, #tpu.memory_space<vmem>>, vector<16xi32>,
          %shift_right_logical3A_615 = arith.constant 5 : i32
          %shift_right_logical3A_616 = vector.broadcast %shift_right_logical3A_615 : i32 to vector<16xi32>
          %shift_right_logical3A_617 = arith.shrui %get3A_614, %shift_right_logical3A_616 : vector<16xi32>
          %and3A_618 = arith.constant 31 : i32
          %and3A_619 = vector.broadcast %and3A_618 : i32 to vector<16xi32>
          %and3A_620 = arith.andi %get3A_614, %and3A_619 : vector<16xi32>
          %gather3A_621 = tpu.vector_load_idx %arg6[%shift_right_logical3A_617, %and3A_620] : memref<3125x32xf32, #tpu.memory_space<vmem>>[vector<16xi32>, vector<16xi32>], vector<16xf32>,
          %get3A_622 = arith.constant 1 : i32
          %get3A_623 = arith.constant 9 : i32
          %get3A_624 = arith.index_cast %get3A_622 : i32 to index
          %get3A_625 = arith.index_cast %get3A_623 : i32 to index
          %get3A_626 = arith.index_cast %add3A_507 : i32 to index
          %get3A_627 = tpu.vector_load %arg7[%get3A_624, %get3A_625, %get3A_626] {strides = array<i32>} : memref<2x20x512xi32, #tpu.memory_space<vmem>>, vector<16xi32>,
          %shift_right_logical3A_628 = arith.constant 5 : i32
          %shift_right_logical3A_629 = vector.broadcast %shift_right_logical3A_628 : i32 to vector<16xi32>
          %shift_right_logical3A_630 = arith.shrui %get3A_627, %shift_right_logical3A_629 : vector<16xi32>
          %and3A_631 = arith.constant 31 : i32
          %and3A_632 = vector.broadcast %and3A_631 : i32 to vector<16xi32>
          %and3A_633 = arith.andi %get3A_627, %and3A_632 : vector<16xi32>
          %gather3A_634 = tpu.vector_load_idx %arg6[%shift_right_logical3A_630, %and3A_633] : memref<3125x32xf32, #tpu.memory_space<vmem>>[vector<16xi32>, vector<16xi32>], vector<16xf32>,
          %get3A_635 = arith.constant 1 : i32
          %get3A_636 = arith.constant 10 : i32
          %get3A_637 = arith.index_cast %get3A_635 : i32 to index
          %get3A_638 = arith.index_cast %get3A_636 : i32 to index
          %get3A_639 = arith.index_cast %add3A_507 : i32 to index
          %get3A_640 = tpu.vector_load %arg7[%get3A_637, %get3A_638, %get3A_639] {strides = array<i32>} : memref<2x20x512xi32, #tpu.memory_space<vmem>>, vector<16xi32>,
          %shift_right_logical3A_641 = arith.constant 5 : i32
          %shift_right_logical3A_642 = vector.broadcast %shift_right_logical3A_641 : i32 to vector<16xi32>
          %shift_right_logical3A_643 = arith.shrui %get3A_640, %shift_right_logical3A_642 : vector<16xi32>
          %and3A_644 = arith.constant 31 : i32
          %and3A_645 = vector.broadcast %and3A_644 : i32 to vector<16xi32>
          %and3A_646 = arith.andi %get3A_640, %and3A_645 : vector<16xi32>
          %gather3A_647 = tpu.vector_load_idx %arg6[%shift_right_logical3A_643, %and3A_646] : memref<3125x32xf32, #tpu.memory_space<vmem>>[vector<16xi32>, vector<16xi32>], vector<16xf32>,
          %get3A_648 = arith.constant 1 : i32
          %get3A_649 = arith.constant 11 : i32
          %get3A_650 = arith.index_cast %get3A_648 : i32 to index
          %get3A_651 = arith.index_cast %get3A_649 : i32 to index
          %get3A_652 = arith.index_cast %add3A_507 : i32 to index
          %get3A_653 = tpu.vector_load %arg7[%get3A_650, %get3A_651, %get3A_652] {strides = array<i32>} : memref<2x20x512xi32, #tpu.memory_space<vmem>>, vector<16xi32>,
          %shift_right_logical3A_654 = arith.constant 5 : i32
          %shift_right_logical3A_655 = vector.broadcast %shift_right_logical3A_654 : i32 to vector<16xi32>
          %shift_right_logical3A_656 = arith.shrui %get3A_653, %shift_right_logical3A_655 : vector<16xi32>
          %and3A_657 = arith.constant 31 : i32
          %and3A_658 = vector.broadcast %and3A_657 : i32 to vector<16xi32>
          %and3A_659 = arith.andi %get3A_653, %and3A_658 : vector<16xi32>
          %gather3A_660 = tpu.vector_load_idx %arg6[%shift_right_logical3A_656, %and3A_659] : memref<3125x32xf32, #tpu.memory_space<vmem>>[vector<16xi32>, vector<16xi32>], vector<16xf32>,
          %get3A_661 = arith.constant 1 : i32
          %get3A_662 = arith.constant 12 : i32
          %get3A_663 = arith.index_cast %get3A_661 : i32 to index
          %get3A_664 = arith.index_cast %get3A_662 : i32 to index
          %get3A_665 = arith.index_cast %add3A_507 : i32 to index
          %get3A_666 = tpu.vector_load %arg7[%get3A_663, %get3A_664, %get3A_665] {strides = array<i32>} : memref<2x20x512xi32, #tpu.memory_space<vmem>>, vector<16xi32>,
          %shift_right_logical3A_667 = arith.constant 5 : i32
          %shift_right_logical3A_668 = vector.broadcast %shift_right_logical3A_667 : i32 to vector<16xi32>
          %shift_right_logical3A_669 = arith.shrui %get3A_666, %shift_right_logical3A_668 : vector<16xi32>
          %and3A_670 = arith.constant 31 : i32
          %and3A_671 = vector.broadcast %and3A_670 : i32 to vector<16xi32>
          %and3A_672 = arith.andi %get3A_666, %and3A_671 : vector<16xi32>
          %gather3A_673 = tpu.vector_load_idx %arg6[%shift_right_logical3A_669, %and3A_672] : memref<3125x32xf32, #tpu.memory_space<vmem>>[vector<16xi32>, vector<16xi32>], vector<16xf32>,
          %get3A_674 = arith.constant 1 : i32
          %get3A_675 = arith.constant 13 : i32
          %get3A_676 = arith.index_cast %get3A_674 : i32 to index
          %get3A_677 = arith.index_cast %get3A_675 : i32 to index
          %get3A_678 = arith.index_cast %add3A_507 : i32 to index
          %get3A_679 = tpu.vector_load %arg7[%get3A_676, %get3A_677, %get3A_678] {strides = array<i32>} : memref<2x20x512xi32, #tpu.memory_space<vmem>>, vector<16xi32>,
          %shift_right_logical3A_680 = arith.constant 5 : i32
          %shift_right_logical3A_681 = vector.broadcast %shift_right_logical3A_680 : i32 to vector<16xi32>
          %shift_right_logical3A_682 = arith.shrui %get3A_679, %shift_right_logical3A_681 : vector<16xi32>
          %and3A_683 = arith.constant 31 : i32
          %and3A_684 = vector.broadcast %and3A_683 : i32 to vector<16xi32>
          %and3A_685 = arith.andi %get3A_679, %and3A_684 : vector<16xi32>
          %gather3A_686 = tpu.vector_load_idx %arg6[%shift_right_logical3A_682, %and3A_685] : memref<3125x32xf32, #tpu.memory_space<vmem>>[vector<16xi32>, vector<16xi32>], vector<16xf32>,
          %get3A_687 = arith.constant 1 : i32
          %get3A_688 = arith.constant 14 : i32
          %get3A_689 = arith.index_cast %get3A_687 : i32 to index
          %get3A_690 = arith.index_cast %get3A_688 : i32 to index
          %get3A_691 = arith.index_cast %add3A_507 : i32 to index
          %get3A_692 = tpu.vector_load %arg7[%get3A_689, %get3A_690, %get3A_691] {strides = array<i32>} : memref<2x20x512xi32, #tpu.memory_space<vmem>>, vector<16xi32>,
          %shift_right_logical3A_693 = arith.constant 5 : i32
          %shift_right_logical3A_694 = vector.broadcast %shift_right_logical3A_693 : i32 to vector<16xi32>
          %shift_right_logical3A_695 = arith.shrui %get3A_692, %shift_right_logical3A_694 : vector<16xi32>
          %and3A_696 = arith.constant 31 : i32
          %and3A_697 = vector.broadcast %and3A_696 : i32 to vector<16xi32>
          %and3A_698 = arith.andi %get3A_692, %and3A_697 : vector<16xi32>
          %gather3A_699 = tpu.vector_load_idx %arg6[%shift_right_logical3A_695, %and3A_698] : memref<3125x32xf32, #tpu.memory_space<vmem>>[vector<16xi32>, vector<16xi32>], vector<16xf32>,
          %get3A_700 = arith.constant 1 : i32
          %get3A_701 = arith.constant 15 : i32
          %get3A_702 = arith.index_cast %get3A_700 : i32 to index
          %get3A_703 = arith.index_cast %get3A_701 : i32 to index
          %get3A_704 = arith.index_cast %add3A_507 : i32 to index
          %get3A_705 = tpu.vector_load %arg7[%get3A_702, %get3A_703, %get3A_704] {strides = array<i32>} : memref<2x20x512xi32, #tpu.memory_space<vmem>>, vector<16xi32>,
          %shift_right_logical3A_706 = arith.constant 5 : i32
          %shift_right_logical3A_707 = vector.broadcast %shift_right_logical3A_706 : i32 to vector<16xi32>
          %shift_right_logical3A_708 = arith.shrui %get3A_705, %shift_right_logical3A_707 : vector<16xi32>
          %and3A_709 = arith.constant 31 : i32
          %and3A_710 = vector.broadcast %and3A_709 : i32 to vector<16xi32>
          %and3A_711 = arith.andi %get3A_705, %and3A_710 : vector<16xi32>
          %gather3A_712 = tpu.vector_load_idx %arg6[%shift_right_logical3A_708, %and3A_711] : memref<3125x32xf32, #tpu.memory_space<vmem>>[vector<16xi32>, vector<16xi32>], vector<16xf32>,
          %get3A_713 = arith.constant 1 : i32
          %get3A_714 = arith.constant 16 : i32
          %get3A_715 = arith.index_cast %get3A_713 : i32 to index
          %get3A_716 = arith.index_cast %get3A_714 : i32 to index
          %get3A_717 = arith.index_cast %add3A_507 : i32 to index
          %get3A_718 = tpu.vector_load %arg7[%get3A_715, %get3A_716, %get3A_717] {strides = array<i32>} : memref<2x20x512xi32, #tpu.memory_space<vmem>>, vector<16xi32>,
          %shift_right_logical3A_719 = arith.constant 5 : i32
          %shift_right_logical3A_720 = vector.broadcast %shift_right_logical3A_719 : i32 to vector<16xi32>
          %shift_right_logical3A_721 = arith.shrui %get3A_718, %shift_right_logical3A_720 : vector<16xi32>
          %and3A_722 = arith.constant 31 : i32
          %and3A_723 = vector.broadcast %and3A_722 : i32 to vector<16xi32>
          %and3A_724 = arith.andi %get3A_718, %and3A_723 : vector<16xi32>
          %gather3A_725 = tpu.vector_load_idx %arg6[%shift_right_logical3A_721, %and3A_724] : memref<3125x32xf32, #tpu.memory_space<vmem>>[vector<16xi32>, vector<16xi32>], vector<16xf32>,
          %get3A_726 = arith.constant 1 : i32
          %get3A_727 = arith.constant 17 : i32
          %get3A_728 = arith.index_cast %get3A_726 : i32 to index
          %get3A_729 = arith.index_cast %get3A_727 : i32 to index
          %get3A_730 = arith.index_cast %add3A_507 : i32 to index
          %get3A_731 = tpu.vector_load %arg7[%get3A_728, %get3A_729, %get3A_730] {strides = array<i32>} : memref<2x20x512xi32, #tpu.memory_space<vmem>>, vector<16xi32>,
          %shift_right_logical3A_732 = arith.constant 5 : i32
          %shift_right_logical3A_733 = vector.broadcast %shift_right_logical3A_732 : i32 to vector<16xi32>
          %shift_right_logical3A_734 = arith.shrui %get3A_731, %shift_right_logical3A_733 : vector<16xi32>
          %and3A_735 = arith.constant 31 : i32
          %and3A_736 = vector.broadcast %and3A_735 : i32 to vector<16xi32>
          %and3A_737 = arith.andi %get3A_731, %and3A_736 : vector<16xi32>
          %gather3A_738 = tpu.vector_load_idx %arg6[%shift_right_logical3A_734, %and3A_737] : memref<3125x32xf32, #tpu.memory_space<vmem>>[vector<16xi32>, vector<16xi32>], vector<16xf32>,
          %get3A_739 = arith.constant 1 : i32
          %get3A_740 = arith.constant 18 : i32
          %get3A_741 = arith.index_cast %get3A_739 : i32 to index
          %get3A_742 = arith.index_cast %get3A_740 : i32 to index
          %get3A_743 = arith.index_cast %add3A_507 : i32 to index
          %get3A_744 = tpu.vector_load %arg7[%get3A_741, %get3A_742, %get3A_743] {strides = array<i32>} : memref<2x20x512xi32, #tpu.memory_space<vmem>>, vector<16xi32>,
          %shift_right_logical3A_745 = arith.constant 5 : i32
          %shift_right_logical3A_746 = vector.broadcast %shift_right_logical3A_745 : i32 to vector<16xi32>
          %shift_right_logical3A_747 = arith.shrui %get3A_744, %shift_right_logical3A_746 : vector<16xi32>
          %and3A_748 = arith.constant 31 : i32
          %and3A_749 = vector.broadcast %and3A_748 : i32 to vector<16xi32>
          %and3A_750 = arith.andi %get3A_744, %and3A_749 : vector<16xi32>
          %gather3A_751 = tpu.vector_load_idx %arg6[%shift_right_logical3A_747, %and3A_750] : memref<3125x32xf32, #tpu.memory_space<vmem>>[vector<16xi32>, vector<16xi32>], vector<16xf32>,
          %get3A_752 = arith.constant 1 : i32
          %get3A_753 = arith.constant 19 : i32
          %get3A_754 = arith.index_cast %get3A_752 : i32 to index
          %get3A_755 = arith.index_cast %get3A_753 : i32 to index
          %get3A_756 = arith.index_cast %add3A_507 : i32 to index
          %get3A_757 = tpu.vector_load %arg7[%get3A_754, %get3A_755, %get3A_756] {strides = array<i32>} : memref<2x20x512xi32, #tpu.memory_space<vmem>>, vector<16xi32>,
          %shift_right_logical3A_758 = arith.constant 5 : i32
          %shift_right_logical3A_759 = vector.broadcast %shift_right_logical3A_758 : i32 to vector<16xi32>
          %shift_right_logical3A_760 = arith.shrui %get3A_757, %shift_right_logical3A_759 : vector<16xi32>
          %and3A_761 = arith.constant 31 : i32
          %and3A_762 = vector.broadcast %and3A_761 : i32 to vector<16xi32>
          %and3A_763 = arith.andi %get3A_757, %and3A_762 : vector<16xi32>
          %gather3A_764 = tpu.vector_load_idx %arg6[%shift_right_logical3A_760, %and3A_763] : memref<3125x32xf32, #tpu.memory_space<vmem>>[vector<16xi32>, vector<16xi32>], vector<16xf32>,
          %add3A_765 = arith.addf %gather3A, %gather3A_530 : vector<16xf32>
          %add3A_766 = arith.addf %gather3A_543, %gather3A_556 : vector<16xf32>
          %add3A_767 = arith.addf %gather3A_569, %gather3A_582 : vector<16xf32>
          %add3A_768 = arith.addf %gather3A_595, %gather3A_608 : vector<16xf32>
          %add3A_769 = arith.addf %gather3A_621, %gather3A_634 : vector<16xf32>
          %add3A_770 = arith.addf %gather3A_647, %gather3A_660 : vector<16xf32>
          %add3A_771 = arith.addf %gather3A_673, %gather3A_686 : vector<16xf32>
          %add3A_772 = arith.addf %gather3A_699, %gather3A_712 : vector<16xf32>
          %add3A_773 = arith.addf %gather3A_725, %gather3A_738 : vector<16xf32>
          %add3A_774 = arith.addf %gather3A_751, %gather3A_764 : vector<16xf32>
          %add3A_775 = arith.addf %add3A_765, %add3A_766 : vector<16xf32>
          %add3A_776 = arith.addf %add3A_767, %add3A_768 : vector<16xf32>
          %add3A_777 = arith.addf %add3A_769, %add3A_770 : vector<16xf32>
          %add3A_778 = arith.addf %add3A_771, %add3A_772 : vector<16xf32>
          %add3A_779 = arith.addf %add3A_773, %add3A_774 : vector<16xf32>
          %add3A_780 = arith.addf %add3A_775, %add3A_776 : vector<16xf32>
          %add3A_781 = arith.addf %add3A_777, %add3A_778 : vector<16xf32>
          %add3A_782 = arith.addf %add3A_780, %add3A_781 : vector<16xf32>
          %add3A_783 = arith.addf %add3A_782, %add3A_779 : vector<16xf32>
          %mul3A_784 = arith.constant 512 : i32
          %mul3A_785 = arith.muli %add3A_497, %mul3A_784 : i32
          %add3A_786 = arith.addi %mul3A_785, %add3A_507 : i32
          %swap3A = arith.index_cast %add3A_786 : i32 to index
          %swap3A_787 = tpu.vector_load %arg8[%swap3A] {strides = array<i32>} : memref<4096xf32, #tpu.memory_space<vmem>>, vector<16xf32>,
          tpu.vector_store %arg8[%swap3A], %add3A_783 {strides = array<i32>} : memref<4096xf32, #tpu.memory_space<vmem>>, vector<16xf32>,
        }
        %scan3A_502 = arith.constant 32 : i32
      }
      %scan3A_423 = arith.constant 4 : i32
      "tpu.region"() ({
        %run_scoped3A = tpu.sem_alloc : memref<!tpu.dma_semaphore, #tpu.memory_space<semaphore_mem>>
        %dma_start3A_424 = arith.constant 0 : i32
        %dma_start3A_425 = tpu.memref_slice %arg5[%select_n3A, %select_n3A_42, %dma_start3A_424] : memref<26x32x4096xf32, #tpu.memory_space<hbm>> -> memref<1x1x4096xf32, #tpu.memory_space<hbm>>
        %dma_start3A_426 = tpu.memref_squeeze %dma_start3A_425 : memref<1x1x4096xf32, #tpu.memory_space<hbm>> -> memref<4096xf32, #tpu.memory_space<hbm>>
        %dma_start3A_427 = arith.constant 0 : i32
        %dma_start3A_428 = tpu.memref_slice %arg5[%select_n3A, %select_n3A_42, %dma_start3A_427] : memref<26x32x4096xf32, #tpu.memory_space<hbm>> -> memref<1x1x4096xf32, #tpu.memory_space<hbm>>
        %dma_start3A_429 = tpu.memref_squeeze %dma_start3A_428 : memref<1x1x4096xf32, #tpu.memory_space<hbm>> -> memref<4096xf32, #tpu.memory_space<hbm>>
        tpu.enqueue_dma source(%arg8 : memref<4096xf32, #tpu.memory_space<vmem>>) target(%dma_start3A_429 : memref<4096xf32, #tpu.memory_space<hbm>>) target_semaphore(%run_scoped3A : memref<!tpu.dma_semaphore, #tpu.memory_space<semaphore_mem>>)
        %dma_wait3A_430 = arith.constant 0 : i32
        %dma_wait3A_431 = tpu.memref_slice %arg5[%select_n3A, %select_n3A_42, %dma_wait3A_430] : memref<26x32x4096xf32, #tpu.memory_space<hbm>> -> memref<1x1x4096xf32, #tpu.memory_space<hbm>>
        %dma_wait3A_432 = tpu.memref_squeeze %dma_wait3A_431 : memref<1x1x4096xf32, #tpu.memory_space<hbm>> -> memref<4096xf32, #tpu.memory_space<hbm>>
        %dma_wait3A_433 = arith.constant 0 : i32
        %dma_wait3A_434 = tpu.memref_slice %arg5[%select_n3A, %select_n3A_42, %dma_wait3A_433] : memref<26x32x4096xf32, #tpu.memory_space<hbm>> -> memref<1x1x4096xf32, #tpu.memory_space<hbm>>
        %dma_wait3A_435 = tpu.memref_squeeze %dma_wait3A_434 : memref<1x1x4096xf32, #tpu.memory_space<hbm>> -> memref<4096xf32, #tpu.memory_space<hbm>>
        tpu.wait_dma2 semaphore(%run_scoped3A : memref<!tpu.dma_semaphore, #tpu.memory_space<semaphore_mem>>) src(%arg8 : memref<4096xf32, #tpu.memory_space<vmem>>) dst(%dma_wait3A_435 : memref<4096xf32, #tpu.memory_space<hbm>>)
        tpu.yield
      }) : () -> ()
    }
    %scan3A_4 = arith.constant 26 : i32
    return
  }
}

</mosaic_0001>

<sc_bundles>
// kernel: kernel.3.cloned.1.call-start
scs
__scs_entry_jumppad:
0x0: {  	(pc) =	sbr.rel $0x88, $3  }
0x1: {  	(tag) =	ssettag $0x0;
	lr =	simm.s32 $0x1  }
0x2: {  	[smem:$0x3F9F] =	sst lr;
	_ =	strace $0xD0000000  }
0x3: {  	_ = 	snop  }
0x4: {  	_ = 	snop  }
0x5: {  	_ = 	snop  }
0x6: {  	_ = 	snop  }
0x7: {  	_ = 	snop  }
__scs_overlays_trampoline_lowered:
0x8: {  	[smem:$0x3FAE] =	sst s0  }
0x9: {  	[smem:$0x3FAF] =	sst s1  }
0xa: {  	[smem:$0x3FB0] =	sst s2  }
0xb: {  	[smem:$0x3FB1] =	sst s3  }
0xc: {  	[smem:$0x3FB2] =	sst s4  }
0xd: {  	[smem:$0x3FB3] =	sst s5  }
0xe: {  	[smem:$0x3FB4] =	sst s6  }
0xf: {  	[smem:$0x3FB5] =	sst s7  }
0x10: {  	[smem:$0x3FB6] =	sst s8  }
0x11: {  	[smem:$0x3FB7] =	sst s9;
	s0 =	simm.s32 @!p0 $0x0  }
0x12: {  	s1 =	sld [smem:$0x3F9D];
	s0 =	simm.s32 @p0 $0x1  }
0x13: {  	[smem:$0x3FB8] =	sst s0;
	s0 =	simm.s32 @!p1 $0x0  }
0x14: {  	s2 =	sld [smem:$0x3F9C];
	s0 =	simm.s32 @p1 $0x1  }
0x15: {  	[smem:$0x3FB9] =	sst s0;
	s0 =	simm.s32 @!p2 $0x0  }
0x16: {  	s3 =	sld [smem:$0x3FDB];
	s0 =	simm.s32 @p2 $0x1  }
0x17: {  	s4 =	simm.s32 $0x1BF5;
	[smem:$0x3FBB] =	sst s0  }
0x18: {  	s0 =	sld [smem:$0x3F9E];
	_ =	swait.ge [sflag:s4], $0x0  }
0x19: {  	s7 =	sld [smem:$0x3F9F]  }
0x1a: {  	s8 =	sadd.s32 $0xFFFFE003, lr  }
0x1b: {  	s9 =	sadd.s32 $0xFFFFFEF7, lr;
	s5 =	simm.s32 $0xFFFFFFFF;
	p2 =	slt.u32 s8, $0xFFFFF086  }
0x1c: {  	p1 =	slt.u32 s9, $0xF7A;
	s5 =	simm.s32 @!p2 $0x0  }
0x1d: {  	s5 =	simm.s32 @p1 $0x1;
	p0 =	seq.s32 s7, s2  }
0x1e: {  	s7 =	smul.u32 @!p0 $0xF7A, s2;
	p2 =	seq.s32 @!p0 s5, $0x0  }
0x1f: {  	s9 =	smul.u32 $0xF7A, s1;
	s8 =	simm.s32 @!p0 $0x1BF5;
	p2 =	por !p2, p0  }
0x20: {  	[sflag:s8] =	ssyncset.s32 @!p0 $0xFFFFF086;
	s6 =	sadd.s32 @!p0 s3, s7;
	s7 =	simm.s32 @!p0 $0x108  }
0x21: {  	s3 =	sadd.s32 s3, s9;
	s6 =	sadd.s32 @!p0 $0x88, s6;
	s7 =	simm.s32 @p2 $0x1082  }
0x22: {  	[simem:s7], [sflag:s8] =	dma.local @!p0 [hbm:s6], $0xF7A  }
0x23: {  	s9 =	sor.u32 $0xD0000000, s2;
	s6 =	simm.s32 $0x108;
	_ =	swait.ge @!p0 [sflag:s8], $0x0  }
0x24: {  	s3 =	sadd.s32 $0x88, s3;
	s6 =	simm.s32 @!p1 $0x1082;
	[sflag:s4] =	ssyncset.s32 $0xFFFFF086  }
0x25: {  	[simem:s6], [sflag:s4] =	dma.local [hbm:s3], $0xF7A  }
0x26: {  	[smem:$0x3F9F] =	sst s1;
	(tag) =	ssettag s2;
	_ =	strace s9  }
0x27: {  	s1 =	sld [smem:$0x3FAF]  }
0x28: {  	s2 =	sld [smem:$0x3FB0]  }
0x29: {  	s4 =	sld [smem:$0x3FB2]  }
0x2a: {  	p0 =	seq.s32 s5, $0x0;
	s5 =	sld [smem:$0x3FB3]  }
0x2b: {  	s6 =	sld [smem:$0x3FB4]  }
0x2c: {  	s7 =	sld [smem:$0x3FB5]  }
0x2d: {  	s3 =	simm.s32 $0x108;
	s8 =	sld [smem:$0x3FB6]  }
0x2e: {  	s3 =	simm.s32 @!p0 $0x1082;
	s9 =	sld [smem:$0x3FB7]  }
0x2f: {  	lr =	sadd.s32 s0, s3;
	s0 =	sld [smem:$0x3FAE]  }
0x30: {  	s3 =	sld [smem:$0x3FB1]  }
0x31: {  	[smem:$0x3FBA] =	sst s10  }
0x32: {  	s10 =	sld [smem:$0x3FB8];
	_ =	sdelay $0x3  }
0x33: {  	p0 =	seq.s32 s10, $0x1;
	s10 =	sld [smem:$0x3FBA];
	_ =	sdelay $0x3  }
0x34: {  	[smem:$0x3FBA] =	sst s10  }
0x35: {  	s10 =	sld [smem:$0x3FB9];
	_ =	sdelay $0x3  }
0x36: {  	p1 =	seq.s32 s10, $0x1;
	s10 =	sld [smem:$0x3FBA];
	_ =	sdelay $0x3  }
0x37: {  	[smem:$0x3FBA] =	sst s10  }
0x38: {  	s10 =	sld [smem:$0x3FBB]  }
0x39: {  	_ = 	snop;
	(pc) =	sbr.ind lr, $3  }
0x3a: {  	_ = 	snop  }
0x3b: {  	_ = 	snop  }
0x3c: {  	p2 =	seq.s32 s10, $0x1;
	s10 =	sld [smem:$0x3FBA]  }
0x3d: {  	_ =	shalt  }
0x3e: {  	_ =	shalt  }
0x3f: {  	_ =	shalt  }
0x40: {  	_ =	shalt  }
0x41: {  	_ =	shalt  }
0x42: {  	_ =	shalt  }
0x43: {  	_ =	shalt  }
0x44: {  	_ =	shalt  }
0x45: {  	_ =	shalt  }
0x46: {  	_ =	shalt  }
0x47: {  	_ =	shalt  }
0x48: {  	_ =	shalt  }
0x49: {  	_ =	shalt  }
0x4a: {  	_ =	shalt  }
0x4b: {  	_ =	shalt  }
0x4c: {  	_ =	shalt  }
0x4d: {  	_ =	shalt  }
0x4e: {  	_ =	shalt  }
0x4f: {  	_ =	shalt  }
0x50: {  	_ =	shalt  }
0x51: {  	_ =	shalt  }
0x52: {  	_ =	shalt  }
0x53: {  	_ =	shalt  }
0x54: {  	_ =	shalt  }
0x55: {  	_ =	shalt  }
0x56: {  	_ =	shalt  }
0x57: {  	_ =	shalt  }
0x58: {  	_ =	shalt  }
0x59: {  	_ =	shalt  }
0x5a: {  	_ =	shalt  }
0x5b: {  	_ =	shalt  }
0x5c: {  	_ =	shalt  }
0x5d: {  	_ =	shalt  }
0x5e: {  	_ =	shalt  }
0x5f: {  	_ =	shalt  }
0x60: {  	_ =	shalt  }
0x61: {  	_ =	shalt  }
0x62: {  	_ =	shalt  }
0x63: {  	_ =	shalt  }
0x64: {  	_ =	shalt  }
0x65: {  	_ =	shalt  }
0x66: {  	_ =	shalt  }
0x67: {  	_ =	shalt  }
0x68: {  	_ =	shalt  }
0x69: {  	_ =	shalt  }
0x6a: {  	_ =	shalt  }
0x6b: {  	_ =	shalt  }
0x6c: {  	_ =	shalt  }
0x6d: {  	_ =	shalt  }
0x6e: {  	_ =	shalt  }
0x6f: {  	_ =	shalt  }
0x70: {  	_ =	shalt  }
0x71: {  	_ =	shalt  }
0x72: {  	_ =	shalt  }
0x73: {  	_ =	shalt  }
0x74: {  	_ =	shalt  }
0x75: {  	_ =	shalt  }
0x76: {  	_ =	shalt  }
0x77: {  	_ =	shalt  }
0x78: {  	_ =	shalt  }
0x79: {  	_ =	shalt  }
0x7a: {  	_ =	shalt  }
0x7b: {  	_ =	shalt  }
0x7c: {  	_ =	shalt  }
0x7d: {  	_ =	shalt  }
0x7e: {  	_ =	shalt  }
0x7f: {  	_ =	shalt  }
0x80: {  	_ =	shalt  }
0x81: {  	_ =	shalt  }
0x82: {  	_ =	shalt  }
0x83: {  	_ =	shalt  }
0x84: {  	_ =	shalt  }
0x85: {  	_ =	shalt  }
0x86: {  	_ =	shalt  }
0x87: {  	_ =	shalt  }
.Lfunc_end0:
.L_simem_size_0:
called_computation_lowered:
.L_overlay_start_0:
0x88: {  	s2 =	sld [smem:$0x3FD9]  }
0x89: {  	s3 =	sld [smem:$0x3FFE];
	_ =	sdelay $0x1  }
0x8a: {  	s1 =	srdreg.scid  }
0x8b: {  	s0 =	sand.u32 $0x1, s1  }
0x8c: {  	s17 =	sshll.u32 s0, $0xA;
	s2 =	sadd.s32 s3, s2  }
0x8d: {  	s2 =	sadd.s32 s2, s17  }
0x8e: {  	[smem:$0x3FC6] =	sst s2  }
0x8f: {  	_ = 	snop  }
0x90: {  	s2 =	sld [smem:$0x3FD0];
	(tm) =	ssettm $0x1  }
0x91: {  	s18 =	sld [smem:$0x3FFB];
	_ =	sdelay $0x3  }
0x92: {  	_ =	strace s18  }
0x93: {  	s3 =	sld [smem:$0x3FFC];
	_ =	sdelay $0x3  }
0x94: {  	_ =	strace s3  }
0x95: {  	s3 =	sld [smem:$0x3FFD];
	_ =	sdelay $0x3  }
0x96: {  	_ =	strace s3  }
0x97: {  	_ =	strace $0x8FFFFFFF  }
0x98: {  	s19 =	sld [smem:$0x3FDB];
	_ =	sdelay $0x1  }
0x99: {  	s4 =	simm.s32 $_scs_section_size  }
0x9a: {  	s5 =	simm.s32 $_size__tile_overlayer_lowered;
	s6 =	simm.s32 $_tile_overlayer_lowered  }
0x9b: {  	s22 =	simm.s32 $0x1BFF;
	s21 =	sshll.u32 s6, $0x1;
	s3 =	sadd.s32 s4, s19  }
0x9c: {  	s7 =	simm.s32 $0x0;
	s20 =	sshll.u32 s5, $0x1;
	s5 =	sadd.s32 s21, s3  }
0x9d: {  	[timem:s7], [sflag:s22] =	dma.local [hbm:s5], s20  }
0x9e: {  	_ =	swait.ge [sflag:s22], s20  }
0x9f: {  	s4 =	ssub.s32 $0x0, s20;
	[sflag:s22] =	ssyncset.done $0x0  }
0xa0: {  	[sflag:s22] =	ssyncadd.s32 s4;
	_ =	sdelay $0x1  }
0xa1: {  	s23 =	simm.s32 $0x1B8B  }
0xa2: {  	_ =	swait.ge [sflag:s23], $0x1  }
0xa3: {  	[sflag:s23] =	ssyncset.done $0x0  }
0xa4: {  	s25 =	simm.s32 $0x1B8E;
	s24 =	sld [smem:$0x3FFE];
	[sflag:s23] =	ssyncadd.s32 $0xFFFFFFFF  }
0xa5: {  	s26 =	simm.s32 $execute0_lowered;
	[smem:$0x3FD2] =	sst s25  }
0xa6: {  	s5 =	sshll.u32 s26, $0x1;
	_ =	strace $0x80000046;
	[dreg:$0x1] =	wrdreg $0xFFFFFFFF  }
0xa7: {  	s28 =	simm.s32 $_size_execute0_lowered;
	s3 =	sadd.s32 s3, s5;
	[dreg:$0x0] =	wrdreg $0x0  }
0xa8: {  	s5 =	sshll.u32 s28, $0x1;
	[dreg:$0x2] =	wrdreg s3  }
0xa9: {  	[dreg:$0x3] =	wrdreg s5  }
0xaa: {  	[dreg:$0x4] =	wrdreg $0xC0  }
0xab: {  	_ =	task [dreg:s7], $0x5FFFF  }
0xac: {  	[dreg:$0x1] =	wrdreg $0xFFFFFFFF  }
0xad: {  	[dreg:$0x0] =	wrdreg $0x60  }
0xae: {  	[dreg:$0x2] =	wrdreg s2  }
0xaf: {  	[dreg:$0x3] =	wrdreg s24  }
0xb0: {  	[dreg:$0x4] =	wrdreg $0x9  }
0xb1: {  	_ =	task.clear_ibuf [dreg:s7], $0x5FFFF;
	_ =	strace $0x90000046  }
0xb2: {  	s29 =	simm.s32 $0x9;
	_ =	strace $0x80000048  }
0xb3: {  	_ =	swait.ge [sflag:s29], $0x1  }
0xb4: {  	[sflag:s29] =	ssyncadd.s32 $0xFFFFFFFF  }
0xb5: {  	_ =	strace $0x90000048  }
0xb6: {  	_ =	sfence  }
0xb7: {  	s30 =	sld [smem:$0x0];
	_ =	sdelay $0x2  }
0xb8: {  	s31 =	sshll.u32 s1, $0xD;
	s1 =	sshrl.u32 s1, $0x2  }
0xb9: {  	s3 =	sand.u32 $0x4000, s31;
	s1 =	sadd.s32 s1, s30  }
0xba: {  	s0 =	sor.u32 s3, s0;
	s1 =	sshll.u32 s1, $0x11  }
0xbb: {  	s0 =	sor.u32 s1, s0  }
0xbc: {  	s0 =	sadd.s32 $0x8F2B, s0  }
0xbd: {  	[sflag:s0] =	ssyncadd.remote.s32 $0x1  }
0xbe: {  	_ =	sfence.sel $0xFFFF  }
0xbf: {  	[dreg:$0x0] =	wrdreg $0xFFFFFFFF;
	(pc) =	sbr.abs _section_cstart, $3  }
0xc0: {  	[dreg:$0x1] =	wrdreg $0xFFFFFFFF  }
0xc1: {  	_ =	task.clear_ibuf [dreg:s7], $0x2FFFF;
	_ =	strace $0x9FFFFFFF  }
0xc2: {  	(tm) =	ssettm $0x7FFFFFFF  }
0xc3: {  	_ =	shalt  }
tec
execute0_lowered:
.L_overlay_start_1:
0x0: {  	(tag) =	ssettag $0x1  }
0x1: {  	s1 =	rddreg [dreg:$0x0]  }
0x2: {  	s0 =	rddreg [dreg:$0x1]  }
0x3: {  	s2 =	simm.s32 $0x0;
	s3 =	srdreg.scid;
	s6 =	stileid.u32  }
0x4: {  	s10 =	simm.s32 $0x4;
	s11 =	simm.s32 $0x7D;
	s31 =	simm.s32 $0x1F1A0  }
0x5: {  	s12 =	simm.s32 $0x17700;
	s13 =	simm.s32 $0x186A0;
	s14 =	simm.s32 $0x3  }
0x6: {  	s15 =	simm.s32 $0x1AEA0;
	s16 =	simm.s32 $0x1;
	s17 =	simm.s32 $0x2  }
0x7: {  	s18 =	simm.s32 $0x1D6A0;
	s19 =	simm.s32 $0x0;
	[smem:$0x7FF] =	sst s2  }
0x8: {  	s3 =	sand.u32 $0x1, s3;
	s4 =	sadd.s32 $0x800, s0;
	s7 =	sadd.s32 $0x600, s0  }
0x9: {  	s8 =	sshll.u32 s6, $0x1;
	s6 =	sadd.s32 $0x9EBA00, s0;
	s5 =	ssub.s32 $0x2, s3  }
0xa: {  	_ =	strace $0x80000047;
	[dreg:$0x3] =	wrdreg s7;
	s29 =	sshrl.u32 s5, $0x1  }
0xb: {  	s3 =	sor.u32 s3, s8;
	s8 =	simm.s32 $0x1F2A0;
	s30 =	ssub.s32 s5, s29  }
0xc: {  	s7 =	smul.u32 $0x1A, s3;
	s3 =	simm.s32 $0x1F220;
	s0 =	smax.u32 s30, $0x1  }
0xd: {  	s5 =	simm.s32 $0x16760;
	[dreg:$0x4] =	wrdreg s0;
	s0 =	simm.s32 $0x157C0  }
.LBB2_1:
0xe: {  	[dreg:$0x5] =	wrdreg s19  }
0xf: {  	s9 =	rddreg [dreg:$0x3];
	s30 =	simm.s32 $0x1E6A0  }
0x10: {  	[tilespmem:s30], [sflag:$0x4] =	stream.linear.gather [hbm4b:s9+s2], $0xC80, $0x38;
	[tilespmem:$0x1F320] =	vst v63  }
0x11: {  	_ =	swait.ge [sflag:s10], $0xC80  }
0x12: {  	[sflag:s10] =	ssyncset.done $0x0  }
0x13: {  	s19 =	simm.s32 $0x0;
	[sflag:s10] =	ssyncadd.s32 $0xFFFFF380  }
.LBB2_2:
0x14: {  	s9 =	sadd.s32 s7, s19  }
0x15: {  	s20 =	sshrl.u32 s9, $0x5  }
0x16: {  	s21 =	sand.u32 $0x1F, s9;
	s29 =	smul.u32 $0x30D400, s20  }
0x17: {  	s22 =	smul.u32 $0x186A0, s21;
	_ =	sdelay $0x1  }
0x18: {  	s9 =	sadd.s32 s22, s29  }
0x19: {  	s9 =	sshrl.u32 s9, $0x3  }
0x1a: {  	s23 =	simm.s32 $0x1E6A0;
	s22 =	simm.s32 $0x0;
	s9 =	sadd.s32 s4, s9  }
0x1b: {  	[tilespmem:s22], [sflag:$0x3] =	stream.indirect.gather [hbm4b:s9+s11], $0x20, s23, s11, $0xb8;
	[tilespmem:$0x1F320] =	vst v63  }
0x1c: {  	s30 =	simm.s32 $0x1E720;
	s24 =	simm.s32 $0xFA0  }
0x1d: {  	[tilespmem:s24], [sflag:$0x3] =	stream.indirect.gather [hbm4b:s9+s11], $0x20, s30, s11, $0xb8;
	[tilespmem:$0x1F320] =	vst v63  }
0x1e: {  	s25 =	simm.s32 $0x1F40;
	s24 =	simm.s32 $0x1E7A0  }
0x1f: {  	[tilespmem:s25], [sflag:$0x3] =	stream.indirect.gather [hbm4b:s9+s11], $0x20, s24, s11, $0xb8;
	[tilespmem:$0x1F320] =	vst v63  }
0x20: {  	s26 =	simm.s32 $0x1E820;
	s28 =	simm.s32 $0x2EE0  }
0x21: {  	[tilespmem:s28], [sflag:$0x3] =	stream.indirect.gather [hbm4b:s9+s11], $0x20, s26, s11, $0xb8;
	[tilespmem:$0x1F320] =	vst v63  }
0x22: {  	s29 =	simm.s32 $0x1E8A0;
	s30 =	simm.s32 $0x3E80  }
0x23: {  	[tilespmem:s30], [sflag:$0x3] =	stream.indirect.gather [hbm4b:s9+s11], $0x20, s29, s11, $0xb8;
	[tilespmem:$0x1F320] =	vst v63  }
0x24: {  	s24 =	simm.s32 $0x1E920;
	s25 =	simm.s32 $0x4E20  }
0x25: {  	[tilespmem:s25], [sflag:$0x3] =	stream.indirect.gather [hbm4b:s9+s11], $0x20, s24, s11, $0xb8;
	[tilespmem:$0x1F320] =	vst v63  }
0x26: {  	s26 =	simm.s32 $0x1E9A0;
	s28 =	simm.s32 $0x5DC0  }
0x27: {  	[tilespmem:s28], [sflag:$0x3] =	stream.indirect.gather [hbm4b:s9+s11], $0x20, s26, s11, $0xb8;
	[tilespmem:$0x1F320] =	vst v63  }
0x28: {  	s29 =	simm.s32 $0x1EA20;
	s30 =	simm.s32 $0x6D60  }
0x29: {  	[tilespmem:s30], [sflag:$0x3] =	stream.indirect.gather [hbm4b:s9+s11], $0x20, s29, s11, $0xb8;
	[tilespmem:$0x1F320] =	vst v63  }
0x2a: {  	s24 =	simm.s32 $0x1EAA0;
	s25 =	simm.s32 $0x7D00  }
0x2b: {  	[tilespmem:s25], [sflag:$0x3] =	stream.indirect.gather [hbm4b:s9+s11], $0x20, s24, s11, $0xb8;
	[tilespmem:$0x1F320] =	vst v63  }
0x2c: {  	s26 =	simm.s32 $0x1EB20;
	s28 =	simm.s32 $0x8CA0  }
0x2d: {  	[tilespmem:s28], [sflag:$0x3] =	stream.indirect.gather [hbm4b:s9+s11], $0x20, s26, s11, $0xb8;
	[tilespmem:$0x1F320] =	vst v63  }
0x2e: {  	s29 =	simm.s32 $0x1EBA0;
	s30 =	simm.s32 $0x9C40  }
0x2f: {  	[tilespmem:s30], [sflag:$0x3] =	stream.indirect.gather [hbm4b:s9+s11], $0x20, s29, s11, $0xb8;
	[tilespmem:$0x1F320] =	vst v63  }
0x30: {  	s24 =	simm.s32 $0x1EC20;
	s25 =	simm.s32 $0xABE0  }
0x31: {  	[tilespmem:s25], [sflag:$0x3] =	stream.indirect.gather [hbm4b:s9+s11], $0x20, s24, s11, $0xb8;
	[tilespmem:$0x1F320] =	vst v63  }
0x32: {  	s26 =	simm.s32 $0x1ECA0;
	s28 =	simm.s32 $0xBB80  }
0x33: {  	[tilespmem:s28], [sflag:$0x3] =	stream.indirect.gather [hbm4b:s9+s11], $0x20, s26, s11, $0xb8;
	[tilespmem:$0x1F320] =	vst v63  }
0x34: {  	s29 =	simm.s32 $0x1ED20;
	s30 =	simm.s32 $0xCB20  }
0x35: {  	[tilespmem:s30], [sflag:$0x3] =	stream.indirect.gather [hbm4b:s9+s11], $0x20, s29, s11, $0xb8;
	[tilespmem:$0x1F320] =	vst v63  }
0x36: {  	s24 =	simm.s32 $0x1EDA0;
	s25 =	simm.s32 $0xDAC0  }
0x37: {  	[tilespmem:s25], [sflag:$0x3] =	stream.indirect.gather [hbm4b:s9+s11], $0x20, s24, s11, $0xb8;
	[tilespmem:$0x1F320] =	vst v63  }
0x38: {  	s26 =	simm.s32 $0x1EE20;
	s28 =	simm.s32 $0xEA60  }
0x39: {  	[tilespmem:s28], [sflag:$0x3] =	stream.indirect.gather [hbm4b:s9+s11], $0x20, s26, s11, $0xb8;
	[tilespmem:$0x1F320] =	vst v63  }
0x3a: {  	s29 =	simm.s32 $0x1EEA0;
	s30 =	simm.s32 $0xFA00  }
0x3b: {  	[tilespmem:s30], [sflag:$0x3] =	stream.indirect.gather [hbm4b:s9+s11], $0x20, s29, s11, $0xb8;
	[tilespmem:$0x1F320] =	vst v63  }
0x3c: {  	s24 =	simm.s32 $0x1EF20;
	s25 =	simm.s32 $0x109A0  }
0x3d: {  	[tilespmem:s25], [sflag:$0x3] =	stream.indirect.gather [hbm4b:s9+s11], $0x20, s24, s11, $0xb8;
	[tilespmem:$0x1F320] =	vst v63  }
0x3e: {  	s26 =	simm.s32 $0x1EFA0;
	s28 =	simm.s32 $0x11940  }
0x3f: {  	[tilespmem:s28], [sflag:$0x3] =	stream.indirect.gather [hbm4b:s9+s11], $0x20, s26, s11, $0xb8;
	[tilespmem:$0x1F320] =	vst v63  }
0x40: {  	s29 =	simm.s32 $0x1F020;
	s30 =	simm.s32 $0x128E0  }
0x41: {  	[tilespmem:s30], [sflag:$0x3] =	stream.indirect.gather [hbm4b:s9+s11], $0x20, s29, s11, $0xb8;
	[tilespmem:$0x1F320] =	vst v63  }
0x42: {  	s25 =	simm.s32 $0x1F0A0;
	s26 =	simm.s32 $0x13880  }
0x43: {  	[tilespmem:s26], [sflag:$0x3] =	stream.indirect.gather [hbm4b:s9+s11], $0x20, s25, s11, $0xb8;
	[tilespmem:$0x1F320] =	vst v63  }
0x44: {  	s28 =	simm.s32 $0x1F120;
	s29 =	simm.s32 $0x14820  }
0x45: {  	[tilespmem:s29], [sflag:$0x3] =	stream.indirect.gather [hbm4b:s9+s11], $0x20, s28, s11, $0xb8;
	[tilespmem:$0x1F320] =	vst v63  }
0x46: {  	_ = 	snop  }
0x47: {  	[tilespmem:s0], [sflag:$0x3] =	stream.indirect.gather [hbm4b:s9+s11], $0x20, s31, s11, $0xb8;
	[tilespmem:$0x1F320] =	vst v63  }
0x48: {  	s23 =	smul.u32 $0x14000, s20  }
0x49: {  	[tilespmem:s5], [sflag:$0x3] =	stream.indirect.gather [hbm4b:s9+s11], $0x20, s3, s11, $0xb8;
	[tilespmem:$0x1F320] =	vst v63  }
0x4a: {  	s30 =	sshrl.u32 s23, $0x3  }
0x4b: {  	[tilespmem:s12], [sflag:$0x3] =	stream.indirect.gather [hbm4b:s9+s11], $0x20, s8, s11, $0xb8;
	[tilespmem:$0x1F320] =	vst v63  }
0x4c: {  	s9 =	sadd.s32 s1, s30  }
0x4d: {  	[tilespmem:s13], [sflag:$0x1] =	stream.linear.gather [hbm4b:s9+s22], $0x2800, $0x38;
	[tilespmem:$0x1F320] =	vst v63  }
0x4e: {  	_ =	swait.ge [sflag:s14], $0x186A0  }
0x4f: {  	s24 =	sadd.s32 $0x5000, s23;
	s25 =	simm.s32 $0x1D6A0;
	[sflag:s14] =	ssyncset.done $0x0  }
0x50: {  	s26 =	simm.s32 $0x0;
	s9 =	simm.s32 $0x1D8A0;
	[sflag:s14] =	ssyncadd.s32 $0xFFFE7960  }
.LBB2_3:
0x51: {  	s28 =	sshllo.u32 s26, $0x1  }
0x52: {  	s28 =	smul.u32 $0x2800, s28;
	_ =	sdelay $0x1  }
0x53: {  	s28 =	sadd.s32 s23, s28  }
0x54: {  	s28 =	sshrl.u32 s28, $0x3  }
0x55: {  	s28 =	sadd.s32 s1, s28  }
0x56: {  	[tilespmem:s15], [sflag:$0x2] =	stream.linear.gather [hbm4b:s28+s22], $0x2800, $0x38;
	[tilespmem:$0x1F320] =	vst v63  }
0x57: {  	_ =	swait.ge [sflag:s16], $0x2800  }
0x58: {  	[sflag:s16] =	ssyncset.done $0x0  }
0x59: {  	s28 =	simm.s32 $0x0;
	[sflag:s16] =	ssyncadd.s32 $0xFFFFD800  }
0x5a: {  	v3 =	vld [tilespmem:s28+$0x1AAA0]  }
0x5b: {  	v2 =	vld [tilespmem:s28+$0x1A8A0]  }
0x5c: {  	v1 =	vld [tilespmem:s28+$0x1A6A0]  }
0x5d: {  	v10 =	vld [tilespmem:s28+$0x192A0]  }
0x5e: {  	v7 =	vld [tilespmem:s28+$0x1A4A0]  }
0x5f: {  	v0 =	vld [tilespmem:s28+$0x194A0]  }
0x60: {  	v8 =	vld [tilespmem:s28+$0x19CA0]  }
0x61: {  	v13 =	vld [tilespmem:s28+$0x18EA0]  }
0x62: {  	v4 =	vld [tilespmem:s28+$0x1ACA0]  }
0x63: {  	v18 =	vld [tilespmem:s28+$0x190A0]  }
0x64: {  	v16 =	vld [tilespmem:s28+$0x18CA0]  }
0x65: {  	v14 =	vld [tilespmem:s28+$0x19AA0]  }
0x66: {  	v15 =	vld [tilespmem:s28+$0x198A0]  }
0x67: {  	v11 =	vld [tilespmem:s28+$0x1A0A0]  }
0x68: {  	v6 =	vld [tilespmem:s28+$0x19EA0]  }
0x69: {  	v9 =	vld [tilespmem:s28+$0x18AA0]  }
0x6a: {  	v12 =	vld [tilespmem:s28+$0x196A0]  }
0x6b: {  	v17 =	vld [tilespmem:s28+$0x188A0]  }
0x6c: {  	v19 =	vld [tilespmem:s28+$0x1A2A0]  }
0x6d: {  	v20 =	vld [tilespmem:s28+$0x186A0]  }
0x6e: {  	v5 =	vld.idx.msk [tilespmem:v0+s2+$0x0], $0xffff  }
0x6f: {  	s29 =	simm.s32 $0x40;
	v0 =	vmov s25;
	v10 =	vld.idx.msk [tilespmem:v10+s2+$0x0], $0xffff  }
.LBB2_4:
0x70: {  	p0 =	sne.s32 s29, $0x7C0;
	v18 =	vld.idx.msk [tilespmem:v18+s2+$0x0], $0xffff;
	s30 =	smov.u32 s29;
	s29 =	sadd.s32 $0x40, s29  }
0x71: {  	v13 =	vld.idx.msk [tilespmem:v13+s2+$0x0], $0xffff  }
0x72: {  	v7 =	vld.idx.msk [tilespmem:v7+s2+$0x0], $0xffff  }
0x73: {  	v16 =	vld.idx.msk [tilespmem:v16+s2+$0x0], $0xffff  }
0x74: {  	v8 =	vld.idx.msk [tilespmem:v8+s2+$0x0], $0xffff  }
0x75: {  	v14 =	vld.idx.msk [tilespmem:v14+s2+$0x0], $0xffff  }
0x76: {  	v15 =	vld.idx.msk [tilespmem:v15+s2+$0x0], $0xffff  }
0x77: {  	v20 =	vld.idx.msk [tilespmem:v20+s2+$0x0], $0xffff  }
0x78: {  	v11 =	vld.idx.msk [tilespmem:v11+s2+$0x0], $0xffff  }
0x79: {  	v19 =	vld.idx.msk [tilespmem:v19+s2+$0x0], $0xffff  }
0x7a: {  	v13 =	vadd.f32 v18, v13;
	v17 =	vld.idx.msk [tilespmem:v17+s2+$0x0], $0xffff  }
0x7b: {  	v8 =	vadd.f32 v8, v14;
	v12 =	vld.idx.msk [tilespmem:v12+s2+$0x0], $0xffff  }
0x7c: {  	v9 =	vld.idx.msk [tilespmem:v9+s2+$0x0], $0xffff  }
0x7d: {  	v6 =	vld.idx.msk [tilespmem:v6+s2+$0x0], $0xffff  }
0x7e: {  	v3 =	vld.idx.msk [tilespmem:v3+s2+$0x0], $0xffff  }
0x7f: {  	v5 =	vadd.f32 v5, v10;
	v7 =	vadd.f32 v7, v19;
	v4 =	vld.idx.msk [tilespmem:v4+s2+$0x0], $0xffff  }
0x80: {  	v10 =	vadd.f32 v17, v20;
	v2 =	vld.idx.msk [tilespmem:v2+s2+$0x0], $0xffff  }
0x81: {  	v5 =	vadd.f32 v5, v13;
	v12 =	vadd.f32 v15, v12;
	v1 =	vld.idx.msk [tilespmem:v1+s2+$0x0], $0xffff  }
0x82: {  	v9 =	vadd.f32 v16, v9  }
0x83: {  	v6 =	vadd.f32 v11, v6;
	v8 =	vadd.f32 v8, v12  }
0x84: {  	v9 =	vadd.f32 v9, v10  }
0x85: {  	v6 =	vadd.f32 v7, v6  }
0x86: {  	v3 =	vadd.f32 v4, v3;
	v4 =	vadd.f32 v5, v9  }
0x87: {  	v1 =	vadd.f32 v2, v1;
	v2 =	vadd.f32 v6, v8;
	_ =	sdelay $0x1  }
0x88: {  	v1 =	vadd.f32 v3, v1;
	v2 =	vadd.f32 v2, v4;
	_ =	sdelay $0x1  }
0x89: {  	s30 =	sshra.s32 s30, $0x2;
	v1 =	vadd.f32 v1, v2;
	_ =	sdelay $0x1  }
0x8a: {  	[tilespmem:v0+s28+$0x0 ss:$0x1] =	vst.idx.msk $0xffff, v1;
	s28 =	smov.u32 s30  }
0x8b: {  	v3 =	vld [tilespmem:s28+$0x1AAA0]  }
0x8c: {  	v2 =	vld [tilespmem:s28+$0x1A8A0]  }
0x8d: {  	v1 =	vld [tilespmem:s28+$0x1A6A0]  }
0x8e: {  	v10 =	vld [tilespmem:s28+$0x192A0]  }
0x8f: {  	v7 =	vld [tilespmem:s28+$0x1A4A0]  }
0x90: {  	v5 =	vld [tilespmem:s28+$0x194A0]  }
0x91: {  	v8 =	vld [tilespmem:s28+$0x19CA0]  }
0x92: {  	v13 =	vld [tilespmem:s28+$0x18EA0]  }
0x93: {  	v4 =	vld [tilespmem:s28+$0x1ACA0]  }
0x94: {  	v18 =	vld [tilespmem:s28+$0x190A0]  }
0x95: {  	v16 =	vld [tilespmem:s28+$0x18CA0]  }
0x96: {  	v14 =	vld [tilespmem:s28+$0x19AA0]  }
0x97: {  	v15 =	vld [tilespmem:s28+$0x198A0]  }
0x98: {  	v11 =	vld [tilespmem:s28+$0x1A0A0]  }
0x99: {  	v6 =	vld [tilespmem:s28+$0x19EA0]  }
0x9a: {  	v5 =	vld.idx.msk [tilespmem:v5+s2+$0x0], $0xffff  }
0x9b: {  	v9 =	vld [tilespmem:s28+$0x18AA0]  }
.Ltmp0:
0x9c: {  	v12 =	vld [tilespmem:s28+$0x196A0];
	(pc) =	sbr.rel @p0 .LBB2_4-.Ltmp0, $4  }
0x9d: {  	v17 =	vld [tilespmem:s28+$0x188A0]  }
0x9e: {  	v19 =	vld [tilespmem:s28+$0x1A2A0]  }
0x9f: {  	v20 =	vld [tilespmem:s28+$0x186A0]  }
0xa0: {  	v10 =	vld.idx.msk [tilespmem:v10+s2+$0x0], $0xffff  }
0xa1: {  	_ =	sdelay $0x3  }
0xa2: {  	v18 =	vld.idx.msk [tilespmem:v18+s2+$0x0], $0xffff  }
0xa3: {  	v13 =	vld.idx.msk [tilespmem:v13+s2+$0x0], $0xffff  }
0xa4: {  	v7 =	vld.idx.msk [tilespmem:v7+s2+$0x0], $0xffff  }
0xa5: {  	v16 =	vld.idx.msk [tilespmem:v16+s2+$0x0], $0xffff  }
0xa6: {  	v8 =	vld.idx.msk [tilespmem:v8+s2+$0x0], $0xffff  }
0xa7: {  	v14 =	vld.idx.msk [tilespmem:v14+s2+$0x0], $0xffff  }
0xa8: {  	v15 =	vld.idx.msk [tilespmem:v15+s2+$0x0], $0xffff  }
0xa9: {  	v11 =	vld.idx.msk [tilespmem:v11+s2+$0x0], $0xffff  }
0xaa: {  	v12 =	vld.idx.msk [tilespmem:v12+s2+$0x0], $0xffff  }
0xab: {  	v9 =	vld.idx.msk [tilespmem:v9+s2+$0x0], $0xffff  }
0xac: {  	v6 =	vld.idx.msk [tilespmem:v6+s2+$0x0], $0xffff  }
0xad: {  	v3 =	vld.idx.msk [tilespmem:v3+s2+$0x0], $0xffff  }
0xae: {  	v17 =	vld.idx.msk [tilespmem:v17+s2+$0x0], $0xffff  }
0xaf: {  	v19 =	vld.idx.msk [tilespmem:v19+s2+$0x0], $0xffff  }
0xb0: {  	v20 =	vld.idx.msk [tilespmem:v20+s2+$0x0], $0xffff  }
0xb1: {  	v4 =	vld.idx.msk [tilespmem:v4+s2+$0x0], $0xffff  }
0xb2: {  	v2 =	vld.idx.msk [tilespmem:v2+s2+$0x0], $0xffff;
	v5 =	vadd.f32 v5, v10;
	v13 =	vadd.f32 v18, v13  }
0xb3: {  	v1 =	vld.idx.msk [tilespmem:v1+s2+$0x0], $0xffff;
	v8 =	vadd.f32 v8, v14;
	v9 =	vadd.f32 v16, v9  }
0xb4: {  	v12 =	vadd.f32 v15, v12;
	v6 =	vadd.f32 v11, v6  }
0xb5: {  	v7 =	vadd.f32 v7, v19;
	v10 =	vadd.f32 v17, v20  }
0xb6: {  	v5 =	vadd.f32 v5, v13;
	v8 =	vadd.f32 v8, v12  }
0xb7: {  	v6 =	vadd.f32 v7, v6;
	v9 =	vadd.f32 v9, v10  }
0xb8: {  	v3 =	vadd.f32 v4, v3;
	v1 =	vadd.f32 v2, v1  }
0xb9: {  	v2 =	vadd.f32 v6, v8;
	v4 =	vadd.f32 v5, v9  }
0xba: {  	p0 =	seq.s32 s26, $0x3  }
0xbb: {  	s29 =	smul.u32 @!p0 $0x5000, s26;
	v1 =	vadd.f32 v3, v1;
	v2 =	vadd.f32 v2, v4;
	_ =	sdelay $0x1  }
0xbc: {  	s29 =	sadd.s32 @!p0 s29, s24;
	v1 =	vadd.f32 v1, v2  }
0xbd: {  	s29 =	sshrl.u32 @!p0 s29, $0x3  }
0xbe: {  	s30 =	simm.s32 @!p0 $0x186A0;
	[tilespmem:v0+s28+$0x0 ss:$0x1] =	vst.idx.msk $0xffff, v1;
	s28 =	sadd.s32 @!p0 s1, s29;
	s29 =	simm.s32 @!p0 $0x0  }
0xbf: {  	[tilespmem:s30], [sflag:$0x1] =	stream.linear.gather @!p0 [hbm4b:s28+s29], $0x2800, $0x38;
	[tilespmem:$0x1F320] =	vst v63  }
0xc0: {  	_ =	swait.ge [sflag:s17], $0x2800  }
0xc1: {  	[sflag:s17] =	ssyncset.done $0x0  }
0xc2: {  	s28 =	simm.s32 $0x0;
	[sflag:s17] =	ssyncadd.s32 $0xFFFFD800  }
0xc3: {  	v3 =	vld [tilespmem:s28+$0x1D2A0]  }
0xc4: {  	v2 =	vld [tilespmem:s28+$0x1D0A0]  }
0xc5: {  	v1 =	vld [tilespmem:s28+$0x1CEA0]  }
0xc6: {  	v10 =	vld [tilespmem:s28+$0x1BAA0]  }
0xc7: {  	v7 =	vld [tilespmem:s28+$0x1CCA0]  }
0xc8: {  	v0 =	vld [tilespmem:s28+$0x1BCA0]  }
0xc9: {  	v8 =	vld [tilespmem:s28+$0x1C4A0]  }
0xca: {  	v13 =	vld [tilespmem:s28+$0x1B6A0]  }
0xcb: {  	v4 =	vld [tilespmem:s28+$0x1D4A0]  }
0xcc: {  	v18 =	vld [tilespmem:s28+$0x1B8A0]  }
0xcd: {  	v16 =	vld [tilespmem:s28+$0x1B4A0]  }
0xce: {  	v14 =	vld [tilespmem:s28+$0x1C2A0]  }
0xcf: {  	v15 =	vld [tilespmem:s28+$0x1C0A0]  }
0xd0: {  	v11 =	vld [tilespmem:s28+$0x1C8A0]  }
0xd1: {  	v6 =	vld [tilespmem:s28+$0x1C6A0]  }
0xd2: {  	v9 =	vld [tilespmem:s28+$0x1B2A0]  }
0xd3: {  	v12 =	vld [tilespmem:s28+$0x1BEA0]  }
0xd4: {  	v17 =	vld [tilespmem:s28+$0x1B0A0]  }
0xd5: {  	v19 =	vld [tilespmem:s28+$0x1CAA0]  }
0xd6: {  	v20 =	vld [tilespmem:s28+$0x1AEA0]  }
0xd7: {  	v5 =	vld.idx.msk [tilespmem:v0+s2+$0x0], $0xffff  }
0xd8: {  	s29 =	simm.s32 $0x40;
	v0 =	vmov s9;
	v10 =	vld.idx.msk [tilespmem:v10+s2+$0x0], $0xffff  }
.LBB2_6:
0xd9: {  	p0 =	sne.s32 s29, $0x7C0;
	v18 =	vld.idx.msk [tilespmem:v18+s2+$0x0], $0xffff;
	s30 =	smov.u32 s29;
	s29 =	sadd.s32 $0x40, s29  }
0xda: {  	v13 =	vld.idx.msk [tilespmem:v13+s2+$0x0], $0xffff  }
0xdb: {  	v7 =	vld.idx.msk [tilespmem:v7+s2+$0x0], $0xffff  }
0xdc: {  	v16 =	vld.idx.msk [tilespmem:v16+s2+$0x0], $0xffff  }
0xdd: {  	v8 =	vld.idx.msk [tilespmem:v8+s2+$0x0], $0xffff  }
0xde: {  	v14 =	vld.idx.msk [tilespmem:v14+s2+$0x0], $0xffff  }
0xdf: {  	v15 =	vld.idx.msk [tilespmem:v15+s2+$0x0], $0xffff  }
0xe0: {  	v20 =	vld.idx.msk [tilespmem:v20+s2+$0x0], $0xffff  }
0xe1: {  	v11 =	vld.idx.msk [tilespmem:v11+s2+$0x0], $0xffff  }
0xe2: {  	v19 =	vld.idx.msk [tilespmem:v19+s2+$0x0], $0xffff  }
0xe3: {  	v13 =	vadd.f32 v18, v13;
	v17 =	vld.idx.msk [tilespmem:v17+s2+$0x0], $0xffff  }
0xe4: {  	v8 =	vadd.f32 v8, v14;
	v12 =	vld.idx.msk [tilespmem:v12+s2+$0x0], $0xffff  }
0xe5: {  	v9 =	vld.idx.msk [tilespmem:v9+s2+$0x0], $0xffff  }
0xe6: {  	v6 =	vld.idx.msk [tilespmem:v6+s2+$0x0], $0xffff  }
0xe7: {  	v3 =	vld.idx.msk [tilespmem:v3+s2+$0x0], $0xffff  }
0xe8: {  	v5 =	vadd.f32 v5, v10;
	v7 =	vadd.f32 v7, v19;
	v4 =	vld.idx.msk [tilespmem:v4+s2+$0x0], $0xffff  }
0xe9: {  	v10 =	vadd.f32 v17, v20;
	v2 =	vld.idx.msk [tilespmem:v2+s2+$0x0], $0xffff  }
0xea: {  	v5 =	vadd.f32 v5, v13;
	v12 =	vadd.f32 v15, v12;
	v1 =	vld.idx.msk [tilespmem:v1+s2+$0x0], $0xffff  }
0xeb: {  	v9 =	vadd.f32 v16, v9  }
0xec: {  	v6 =	vadd.f32 v11, v6;
	v8 =	vadd.f32 v8, v12  }
0xed: {  	v9 =	vadd.f32 v9, v10  }
0xee: {  	v6 =	vadd.f32 v7, v6  }
0xef: {  	v3 =	vadd.f32 v4, v3;
	v4 =	vadd.f32 v5, v9  }
0xf0: {  	v1 =	vadd.f32 v2, v1;
	v2 =	vadd.f32 v6, v8;
	_ =	sdelay $0x1  }
0xf1: {  	v1 =	vadd.f32 v3, v1;
	v2 =	vadd.f32 v2, v4;
	_ =	sdelay $0x1  }
0xf2: {  	s30 =	sshra.s32 s30, $0x2;
	v1 =	vadd.f32 v1, v2;
	_ =	sdelay $0x1  }
0xf3: {  	[tilespmem:v0+s28+$0x0 ss:$0x1] =	vst.idx.msk $0xffff, v1;
	s28 =	smov.u32 s30  }
0xf4: {  	v3 =	vld [tilespmem:s28+$0x1D2A0]  }
0xf5: {  	v2 =	vld [tilespmem:s28+$0x1D0A0]  }
0xf6: {  	v1 =	vld [tilespmem:s28+$0x1CEA0]  }
0xf7: {  	v10 =	vld [tilespmem:s28+$0x1BAA0]  }
0xf8: {  	v7 =	vld [tilespmem:s28+$0x1CCA0]  }
0xf9: {  	v5 =	vld [tilespmem:s28+$0x1BCA0]  }
0xfa: {  	v8 =	vld [tilespmem:s28+$0x1C4A0]  }
0xfb: {  	v13 =	vld [tilespmem:s28+$0x1B6A0]  }
0xfc: {  	v4 =	vld [tilespmem:s28+$0x1D4A0]  }
0xfd: {  	v18 =	vld [tilespmem:s28+$0x1B8A0]  }
0xfe: {  	v16 =	vld [tilespmem:s28+$0x1B4A0]  }
0xff: {  	v14 =	vld [tilespmem:s28+$0x1C2A0]  }
0x100: {  	v15 =	vld [tilespmem:s28+$0x1C0A0]  }
0x101: {  	v11 =	vld [tilespmem:s28+$0x1C8A0]  }
0x102: {  	v6 =	vld [tilespmem:s28+$0x1C6A0]  }
0x103: {  	v5 =	vld.idx.msk [tilespmem:v5+s2+$0x0], $0xffff  }
0x104: {  	v9 =	vld [tilespmem:s28+$0x1B2A0]  }
.Ltmp1:
0x105: {  	v12 =	vld [tilespmem:s28+$0x1BEA0];
	(pc) =	sbr.rel @p0 .LBB2_6-.Ltmp1, $4  }
0x106: {  	v17 =	vld [tilespmem:s28+$0x1B0A0]  }
0x107: {  	v19 =	vld [tilespmem:s28+$0x1CAA0]  }
0x108: {  	v20 =	vld [tilespmem:s28+$0x1AEA0]  }
0x109: {  	v10 =	vld.idx.msk [tilespmem:v10+s2+$0x0], $0xffff  }
0x10a: {  	_ =	sdelay $0x3  }
0x10b: {  	v18 =	vld.idx.msk [tilespmem:v18+s2+$0x0], $0xffff  }
0x10c: {  	v13 =	vld.idx.msk [tilespmem:v13+s2+$0x0], $0xffff  }
0x10d: {  	v7 =	vld.idx.msk [tilespmem:v7+s2+$0x0], $0xffff  }
0x10e: {  	v16 =	vld.idx.msk [tilespmem:v16+s2+$0x0], $0xffff  }
0x10f: {  	v8 =	vld.idx.msk [tilespmem:v8+s2+$0x0], $0xffff  }
0x110: {  	v14 =	vld.idx.msk [tilespmem:v14+s2+$0x0], $0xffff  }
0x111: {  	v15 =	vld.idx.msk [tilespmem:v15+s2+$0x0], $0xffff  }
0x112: {  	v11 =	vld.idx.msk [tilespmem:v11+s2+$0x0], $0xffff  }
0x113: {  	v12 =	vld.idx.msk [tilespmem:v12+s2+$0x0], $0xffff  }
0x114: {  	v9 =	vld.idx.msk [tilespmem:v9+s2+$0x0], $0xffff  }
0x115: {  	v6 =	vld.idx.msk [tilespmem:v6+s2+$0x0], $0xffff  }
0x116: {  	v3 =	vld.idx.msk [tilespmem:v3+s2+$0x0], $0xffff  }
0x117: {  	v17 =	vld.idx.msk [tilespmem:v17+s2+$0x0], $0xffff  }
0x118: {  	v19 =	vld.idx.msk [tilespmem:v19+s2+$0x0], $0xffff  }
0x119: {  	v20 =	vld.idx.msk [tilespmem:v20+s2+$0x0], $0xffff  }
0x11a: {  	v4 =	vld.idx.msk [tilespmem:v4+s2+$0x0], $0xffff  }
0x11b: {  	v2 =	vld.idx.msk [tilespmem:v2+s2+$0x0], $0xffff;
	v5 =	vadd.f32 v5, v10;
	v13 =	vadd.f32 v18, v13  }
0x11c: {  	v1 =	vld.idx.msk [tilespmem:v1+s2+$0x0], $0xffff;
	v8 =	vadd.f32 v8, v14;
	v9 =	vadd.f32 v16, v9  }
0x11d: {  	v12 =	vadd.f32 v15, v12;
	v6 =	vadd.f32 v11, v6  }
0x11e: {  	v7 =	vadd.f32 v7, v19;
	v61 =	vadd.f32 v17, v20  }
0x11f: {  	v5 =	vadd.f32 v5, v13;
	v8 =	vadd.f32 v8, v12  }
0x120: {  	v6 =	vadd.f32 v7, v6;
	v9 =	vadd.f32 v9, v61  }
0x121: {  	v3 =	vadd.f32 v4, v3;
	v1 =	vadd.f32 v2, v1  }
0x122: {  	s26 =	sadd.s32 $0x1, s26;
	v63 =	vadd.f32 v6, v8;
	v62 =	vadd.f32 v5, v9  }
0x123: {  	p0 =	sne.s32 s26, $0x4  }
.Ltmp2:
0x124: {  	v1 =	vadd.f32 v3, v1;
	v2 =	vadd.f32 v63, v62;
	(pc) =	sbr.rel @p0 .LBB2_3-.Ltmp2, $3  }
0x125: {  	_ = 	snop  }
0x126: {  	v1 =	vadd.f32 v1, v2;
	_ =	sdelay $0x1  }
0x127: {  	s25 =	sadd.s32 $0x400, s25;
	s9 =	sadd.s32 $0x400, s9;
	[tilespmem:v0+s28+$0x0 ss:$0x1] =	vst.idx.msk $0xffff, v1  }
0x128: {  	s9 =	sshll.u32 s21, $0x9;
	s19 =	sadd.s32 $0x1, s19  }
0x129: {  	s20 =	sshll.u32 s20, $0xE;
	s9 =	sadd.s32 s6, s9;
	p0 =	sne.s32 s19, $0x1A  }
.Ltmp3:
0x12a: {  	s9 =	sadd.s32 s20, s9;
	(pc) =	sbr.rel @p0 .LBB2_2-.Ltmp3, $4  }
0x12b: {  	[hbm4b:s9+s2] =	stream.linear.scatter [tilespmem:s18], [sflag:$0x4], $0x1000, $0x38;
	[tilespmem:$0x1F320] =	vst v63  }
0x12c: {  	_ =	swait.ge [sflag:s10], $0x1000  }
0x12d: {  	[sflag:s10] =	ssyncset.done $0x0  }
0x12e: {  	[sflag:s10] =	ssyncadd.s32 $0xFFFFF000  }
0x12f: {  	s19 =	rddreg [dreg:$0x5]  }
0x130: {  	s9 =	rddreg [dreg:$0x4];
	s19 =	sadd.s32 $0x1, s19  }
0x131: {  	p0 =	sne.s32 s19, s9  }
.Ltmp4:
0x132: {  	_ = 	snop;
	(pc) =	sbr.rel @p0 .LBB2_1-.Ltmp4, $1  }
0x133: {  	_ =	sdelay $0x3  }
0x134: {  	_ =	sfence.sel $0x180000  }
0x135: {  	[bflag:$0x0] =	sbarrier.arrive $0xFFFF  }
0x136: {  	_ =	strace $0x90000047  }
0x137: {  	s0 =	stileid.u32;
	[bflag:$0x2] =	sbarrier.arrive $0xFFFF  }
0x138: {  	p0 =	sne.s32 s0, $0x0;
	s0 =	rddreg [dreg:$0x2]  }
0x139: {  	s0 =	sadd.s32 @!p0 $0x100000, s0  }
0x13a: {  	[sflag:s0] =	ssyncadd.tile.s32 @!p0 $0x1;
	_ =	shalt  }
.Lfunc_end2:
_tile_overlayer_lowered:
.L_overlay_start_2:
0x13b: {  	(tag) =	ssettag $0x2  }
0x13c: {  	s0 =	rddreg [dreg:$0x0];
	s2 =	stileid.u32  }
0x13d: {  	s1 =	rddreg [dreg:$0x1];
	p0 =	sne.s32 s2, $0x0  }
0x13e: {  	s3 =	rddreg [dreg:$0x2];
	[bflag:$0x3] =	sbarrier.arrive $0xFFFF;
	s2 =	simm.s32 @!p0 $0x1C04  }
0x13f: {  	[timem:s3], [sflag:s2] =	dma.local @!p0 [hbm:s0], s1  }
0x140: {  	s0 =	simm.s32 @!p0 $0x4  }
0x141: {  	_ =	swait.ge @!p0 [sflag:s0], s1  }
0x142: {  	s1 =	ssub.s32 @!p0 $0x0, s1;
	[sflag:s0] =	ssyncset.done @!p0 $0x0  }
0x143: {  	[sflag:s0] =	ssyncadd.s32 @!p0 s1  }
0x144: {  	[bflag:$0x3] =	sbarrier.arrive $0xFFFF  }
0x145: {  	_ =	shalt  }

</sc_bundles>
